<compile_context>
chip_gen: v7x
topology: tpu7x:2x2x1
jax: 0.10.2.dev20260603
libtpu: 0.0.44.dev20260713+nightly
codegen_flags: <defaults>
</compile_context>

<pallas_src>
import math

import jax
import jax.numpy as jnp
from jax import lax
from jax.experimental import pallas as pl
from jax.experimental.pallas import tpu as pltpu
from jax.experimental.pallas import tpu_sc as plsc

N_NODES = 10000
N_EDGES = 320000
D = 128
H = 8
HD = D // H

NC = 2
NS = 16
EC = N_EDGES // NC
ET = EC // NS
CHUNK = 40
NCHUNKS = ET // CHUNK
NPAD = 10240
NT = NPAD // NS


def _logits_body(q_ref, k_ref, cut_ref, s_ref):
    qk = q_ref[...] * k_ref[...]
    br = lax.broadcasted_iota(jnp.int32, (D, D), 0) // HD
    bc = lax.broadcasted_iota(jnp.int32, (D, D), 1) // HD
    b = (br == bc).astype(jnp.float32)
    w = jnp.dot(qk, b, preferred_element_type=jnp.float32)
    i = pl.program_id(0)
    cut = cut_ref[pl.ds(i * _LBLK, _LBLK)]
    w = w * (cut * (1.0 / math.sqrt(HD)))[:, None]
    s_ref[...] = jnp.exp(w)


_LBLK = 6400


def _logits(query, key, cutoff):
    blk = _LBLK
    grid = N_EDGES // blk
    return pl.pallas_call(
        _logits_body,
        grid=(grid,),
        in_specs=[
            pl.BlockSpec((blk, D), lambda i: (i, 0)),
            pl.BlockSpec((blk, D), lambda i: (i, 0)),
            pl.BlockSpec((N_EDGES,), lambda i: (0,)),
        ],
        out_specs=pl.BlockSpec((blk, D), lambda i: (i, 0)),
        out_shape=jax.ShapeDtypeStruct((N_EDGES, D), jnp.float32),
    )(query, key, cutoff)


def _scatter_body(v_hbm, s_hbm, ei_hbm, zn_hbm, zd_hbm, np_hbm, dp_hbm,
                  acc_n, acc_d, v_b, s_b, di_b, pn_b, pd_b,
                  in_sems):
    c = lax.axis_index("c")
    t = lax.axis_index("s")

    nb = t * NT
    pltpu.sync_copy(zn_hbm.at[pl.ds(nb, NT)], acc_n.at[pl.ds(nb, NT)])
    pltpu.sync_copy(zd_hbm.at[pl.ds(nb, NT)], acc_d.at[pl.ds(nb, NT)])
    plsc.subcore_barrier()

    tile_base = c * EC + t * ET
    lane = lax.broadcasted_iota(jnp.int32, (16,), 0)

    def start_in(g, b):
        eb = tile_base + g * CHUNK
        pltpu.async_copy(v_hbm.at[pl.ds(eb, CHUNK)], v_b.at[b], in_sems.at[b])
        pltpu.async_copy(s_hbm.at[pl.ds(eb, CHUNK)], s_b.at[b], in_sems.at[b])
        pltpu.async_copy(ei_hbm.at[1, pl.ds(eb, CHUNK)], di_b.at[b], in_sems.at[b])

    def wait_in(b):
        pltpu.make_async_copy(v_hbm.at[pl.ds(0, CHUNK)], v_b.at[b], in_sems.at[b]).wait()
        pltpu.make_async_copy(s_hbm.at[pl.ds(0, CHUNK)], s_b.at[b], in_sems.at[b]).wait()
        pltpu.make_async_copy(ei_hbm.at[1, pl.ds(0, CHUNK)], di_b.at[b], in_sems.at[b]).wait()

    def start_sc(b):
        pltpu.sync_copy(pn_b.at[b], acc_n.at[di_b.at[b]], add=True)
        pltpu.sync_copy(pd_b.at[b], acc_d.at[di_b.at[b]], add=True)

    def compute(b):
        def edge_body(e, carry2):
            sv16 = jnp.zeros((16,), jnp.float32)
            for h in range(H):
                sw = s_b[b, e, pl.ds(h * HD, HD)]
                pn_b[b, e, pl.ds(h * HD, HD)] = v_b[b, e, pl.ds(h * HD, HD)] * sw
                sv16 = jnp.where(lane == h, jnp.broadcast_to(sw[0], (16,)), sv16)
            pd_b[b, e, :] = sv16
            return carry2

        lax.fori_loop(0, CHUNK, edge_body, 0)

    start_in(0, 0)
    start_in(1, 1)

    def pair_body(gg, carry):
        for b in range(2):
            g = 2 * gg + b
            wait_in(b)
            compute(b)
            start_sc(b)

            @pl.when(g + 2 < NCHUNKS)
            def _():
                start_in(g + 2, b)
        return carry

    lax.fori_loop(0, NCHUNKS // 2, pair_body, 0)
    plsc.subcore_barrier()

    pltpu.sync_copy(acc_n.at[pl.ds(nb, NT)], np_hbm.at[c, pl.ds(nb, NT)])
    pltpu.sync_copy(acc_d.at[pl.ds(nb, NT)], dp_hbm.at[c, pl.ds(nb, NT)])


def _scatter_sc(value, s_wide, edge_index):
    zn = jnp.zeros((NPAD, D), jnp.float32)
    zd = jnp.zeros((NPAD, 16), jnp.float32)
    mesh = plsc.VectorSubcoreMesh(core_axis_name="c", subcore_axis_name="s")
    f = pl.kernel(
        _scatter_body,
        out_type=(
            jax.ShapeDtypeStruct((NC, NPAD, D), jnp.float32),
            jax.ShapeDtypeStruct((NC, NPAD, 16), jnp.float32),
        ),
        mesh=mesh,
        scratch_types=[
            pltpu.VMEM_SHARED((NPAD, D), jnp.float32),
            pltpu.VMEM_SHARED((NPAD, 16), jnp.float32),
            pltpu.VMEM((2, CHUNK, D), jnp.float32),
            pltpu.VMEM((2, CHUNK, D), jnp.float32),
            pltpu.VMEM((2, CHUNK), jnp.int32),
            pltpu.VMEM((2, CHUNK, D), jnp.float32),
            pltpu.VMEM((2, CHUNK, 16), jnp.float32),
            pltpu.SemaphoreType.DMA((2,)),
        ],
        compiler_params=pltpu.CompilerParams(use_tc_tiling_on_sc=False),
    )
    return f(value, s_wide, edge_index, zn, zd)


def _combine_body(np_ref, dp_ref, out_ref):
    n_sum = np_ref[0] + np_ref[1]
    d_sum = dp_ref[0] + dp_ref[1]
    cr = lax.broadcasted_iota(jnp.int32, (16, D), 0)
    cc = lax.broadcasted_iota(jnp.int32, (16, D), 1) // HD
    cmat = (cr == cc).astype(jnp.float32)
    db = jnp.dot(d_sum, cmat, preferred_element_type=jnp.float32)
    out_ref[...] = jnp.where(db > 0.0, n_sum / db, 0.0)


def _combine(np_part, dp_part):
    blk = 1000
    grid = N_NODES // blk
    return pl.pallas_call(
        _combine_body,
        grid=(grid,),
        in_specs=[
            pl.BlockSpec((NC, blk, D), lambda i: (0, i, 0)),
            pl.BlockSpec((NC, blk, 16), lambda i: (0, i, 0)),
        ],
        out_specs=pl.BlockSpec((blk, D), lambda i: (i, 0)),
        out_shape=jax.ShapeDtypeStruct((N_NODES, D), jnp.float32),
    )(np_part, dp_part)


@jax.jit
def kernel(key, value, query, edge_weight_cutoff, edge_index):
    s_wide = _logits(query, key, edge_weight_cutoff)
    np_part, dp_part = _scatter_sc(value, s_wide, edge_index.astype(jnp.int32))
    return _combine(np_part, dp_part)

# --- scband reference (transcript-rebuilt; emitter-appended) ---
"""Pipeline reference for scband-attention-block-e3-63806034149758 (READ-ONLY COPY).

The authoritative reference and input builder live on the scoring server;
editing this copy changes nothing except your own understanding.
"""

import jax, jax.numpy as jnp
import numpy as np
import math

N_NODES = 10000
N_EDGES = 320000
D = 128
NUM_HEADS = 8
HEAD_DIM = D // NUM_HEADS

def setup_inputs() -> dict:
    rng = jax.random.key(0)
    k1, k2, k3, k4, k5 = jax.random.split(rng, 5)
    key = jax.random.normal(k1, (N_EDGES, D), dtype=jnp.float32)
    value = jax.random.normal(k2, (N_EDGES, D), dtype=jnp.float32)
    query = jax.random.normal(k3, (N_EDGES, D), dtype=jnp.float32)
    edge_weight_cutoff = jax.random.uniform(k4, (N_EDGES,), dtype=jnp.float32)
    edge_index = jax.random.randint(k5, (2, N_EDGES), 0, N_NODES, dtype=jnp.int64 if jax.config.jax_enable_x64 else jnp.int32)
    return {"key": key, "value": value, "query": query, "edge_weight_cutoff": edge_weight_cutoff, "edge_index": edge_index}

def reference(key, value, query, edge_weight_cutoff, edge_index):
    # VectorToAttentionHeads: with scalar-only irreps (128x0e) this is a reshape
    k = key.reshape(N_EDGES, NUM_HEADS, HEAD_DIM)
    v = value.reshape(N_EDGES, NUM_HEADS, HEAD_DIM)
    q = query.reshape(N_EDGES, NUM_HEADS, HEAD_DIM)
    edge_dst = edge_index[1]
    # per-edge attention logits
    w = (q * k).sum(-1)  # [E, H]
    w = edge_weight_cutoff[:, None] * w
    w = w / math.sqrt(HEAD_DIM)
    # edge_softmax over destination-node segments
    w_max = jax.ops.segment_max(w, edge_dst, num_segments=N_NODES)  # [N, H]
    w = jnp.exp(w - w_max[edge_dst])
    denom = jax.ops.segment_sum(w, edge_dst, num_segments=N_NODES)  # [N, H]
    w = w / denom[edge_dst]
    # scatter-add weighted values to destination nodes
    f_out = jax.ops.segment_sum(w[..., None] * v, edge_dst, num_segments=N_NODES)  # [N, H, HEAD_DIM]
    # AttentionHeadsToVector: reshape back
    return f_out.reshape(N_NODES, D)

if __name__ == "__main__":
    import jax
    _d = setup_inputs()
    print(jax.jit(kernel)(*tuple(_d.values())))

</pallas_src>

<mosaic_0001>
#map = affine_map<(d0, d1) -> (0, 0)>
#map1 = affine_map<(d0, d1) -> (0, 0, 0)>
module attributes {stable_mosaic.version = 14 : i64} {
  func.func @_scatter_body(%arg0: i32, %arg1: i32, %arg2: memref<320000x128xf32, #tpu.memory_space<hbm>>, %arg3: memref<320000x128xf32, #tpu.memory_space<hbm>>, %arg4: memref<2x320000xi32, #tpu.memory_space<hbm>>, %arg5: memref<10240x128xf32, #tpu.memory_space<hbm>>, %arg6: memref<10240x16xf32, #tpu.memory_space<hbm>>, %arg7: memref<2x10240x128xf32, #tpu.memory_space<hbm>>, %arg8: memref<2x10240x16xf32, #tpu.memory_space<hbm>>, %arg9: memref<10240x128xf32, #tpu.memory_space<vmem_shared>>, %arg10: memref<10240x16xf32, #tpu.memory_space<vmem_shared>>, %arg11: memref<2x40x128xf32, #tpu.memory_space<vmem>>, %arg12: memref<2x40x128xf32, #tpu.memory_space<vmem>>, %arg13: memref<2x40xi32, #tpu.memory_space<vmem>>, %arg14: memref<2x40x128xf32, #tpu.memory_space<vmem>>, %arg15: memref<2x40x16xf32, #tpu.memory_space<vmem>>, %arg16: memref<2x!tpu.dma_semaphore, #tpu.memory_space<semaphore_mem>>) attributes {dimension_semantics = [#tpu.dimension_semantics<core_parallel>, #tpu.dimension_semantics<subcore_parallel>], iteration_bounds = array<i64: 2, 16>, scalar_prefetch = 0 : i64, scratch_operands = 8 : i64, tpu.core_type = #tpu.core_type<sc_vector_subcore>, window_params = [{transform_indices = #map}, {transform_indices = #map}, {transform_indices = #map}, {transform_indices = #map}, {transform_indices = #map}, {transform_indices = #map1}, {transform_indices = #map1}]} {
    %mul3A = arith.constant 640 : i32
    %mul3A_0 = arith.muli %arg1, %mul3A : i32
    "tpu.region"() ({
      %run_scoped3A = tpu.sem_alloc : memref<!tpu.dma_semaphore, #tpu.memory_space<semaphore_mem>>
      %dma_start3A_108 = arith.constant 0 : i32
      %dma_start3A_109 = tpu.memref_slice %arg9[%mul3A_0, %dma_start3A_108] : memref<10240x128xf32, #tpu.memory_space<vmem_shared>> -> memref<640x128xf32, #tpu.memory_space<vmem_shared>>
      %dma_start3A_110 = arith.constant 0 : i32
      %dma_start3A_111 = tpu.memref_slice %arg5[%mul3A_0, %dma_start3A_110] : memref<10240x128xf32, #tpu.memory_space<hbm>> -> memref<640x128xf32, #tpu.memory_space<hbm>>
      tpu.enqueue_dma source(%dma_start3A_111 : memref<640x128xf32, #tpu.memory_space<hbm>>) target(%dma_start3A_109 : memref<640x128xf32, #tpu.memory_space<vmem_shared>>) target_semaphore(%run_scoped3A : memref<!tpu.dma_semaphore, #tpu.memory_space<semaphore_mem>>)
      %dma_wait3A = arith.constant 0 : i32
      %dma_wait3A_112 = tpu.memref_slice %arg9[%mul3A_0, %dma_wait3A] : memref<10240x128xf32, #tpu.memory_space<vmem_shared>> -> memref<640x128xf32, #tpu.memory_space<vmem_shared>>
      %dma_wait3A_113 = arith.constant 0 : i32
      %dma_wait3A_114 = tpu.memref_slice %arg5[%mul3A_0, %dma_wait3A_113] : memref<10240x128xf32, #tpu.memory_space<hbm>> -> memref<640x128xf32, #tpu.memory_space<hbm>>
      tpu.wait_dma2 semaphore(%run_scoped3A : memref<!tpu.dma_semaphore, #tpu.memory_space<semaphore_mem>>) src(%dma_wait3A_114 : memref<640x128xf32, #tpu.memory_space<hbm>>) dst(%dma_wait3A_112 : memref<640x128xf32, #tpu.memory_space<vmem_shared>>)
      tpu.yield
    }) : () -> ()
    "tpu.region"() ({
      %run_scoped3A = tpu.sem_alloc : memref<!tpu.dma_semaphore, #tpu.memory_space<semaphore_mem>>
      %dma_start3A_108 = arith.constant 0 : i32
      %dma_start3A_109 = tpu.memref_slice %arg10[%mul3A_0, %dma_start3A_108] : memref<10240x16xf32, #tpu.memory_space<vmem_shared>> -> memref<640x16xf32, #tpu.memory_space<vmem_shared>>
      %dma_start3A_110 = arith.constant 0 : i32
      %dma_start3A_111 = tpu.memref_slice %arg6[%mul3A_0, %dma_start3A_110] : memref<10240x16xf32, #tpu.memory_space<hbm>> -> memref<640x16xf32, #tpu.memory_space<hbm>>
      tpu.enqueue_dma source(%dma_start3A_111 : memref<640x16xf32, #tpu.memory_space<hbm>>) target(%dma_start3A_109 : memref<640x16xf32, #tpu.memory_space<vmem_shared>>) target_semaphore(%run_scoped3A : memref<!tpu.dma_semaphore, #tpu.memory_space<semaphore_mem>>)
      %dma_wait3A = arith.constant 0 : i32
      %dma_wait3A_112 = tpu.memref_slice %arg10[%mul3A_0, %dma_wait3A] : memref<10240x16xf32, #tpu.memory_space<vmem_shared>> -> memref<640x16xf32, #tpu.memory_space<vmem_shared>>
      %dma_wait3A_113 = arith.constant 0 : i32
      %dma_wait3A_114 = tpu.memref_slice %arg6[%mul3A_0, %dma_wait3A_113] : memref<10240x16xf32, #tpu.memory_space<hbm>> -> memref<640x16xf32, #tpu.memory_space<hbm>>
      tpu.wait_dma2 semaphore(%run_scoped3A : memref<!tpu.dma_semaphore, #tpu.memory_space<semaphore_mem>>) src(%dma_wait3A_114 : memref<640x16xf32, #tpu.memory_space<hbm>>) dst(%dma_wait3A_112 : memref<640x16xf32, #tpu.memory_space<vmem_shared>>)
      tpu.yield
    }) : () -> ()
    %barrier3A = arith.constant 0 : index
    tpu.barrier barrier_id(%barrier3A)
    %mul3A_1 = arith.constant 160000 : i32
    %mul3A_2 = arith.muli %arg0, %mul3A_1 : i32
    %mul3A_3 = arith.constant 10000 : i32
    %mul3A_4 = arith.muli %arg1, %mul3A_3 : i32
    %add3A = arith.addi %mul3A_2, %mul3A_4 : i32
    %iota3A = tpu.iota {dimensions = array<i32: 0>} : vector<16xi32>
    %add3A_5 = arith.constant 0 : i32
    %add3A_6 = arith.addi %add3A, %add3A_5 : i32
    %dma_start3A = arith.constant 0 : i32
    %dma_start3A_7 = arith.constant 0 : i32
    %dma_start3A_8 = arith.constant 0 : i32
    %dma_start3A_9 = arith.constant 0 : i32
    %dma_start3A_10 = tpu.memref_slice %arg11[%dma_start3A, %dma_start3A_8, %dma_start3A_9] : memref<2x40x128xf32, #tpu.memory_space<vmem>> -> memref<1x40x128xf32, #tpu.memory_space<vmem>>
    %dma_start3A_11 = tpu.memref_squeeze %dma_start3A_10 : memref<1x40x128xf32, #tpu.memory_space<vmem>> -> memref<40x128xf32, #tpu.memory_space<vmem>>
    %dma_start3A_12 = arith.constant 0 : i32
    %dma_start3A_13 = tpu.memref_slice %arg2[%add3A_6, %dma_start3A_12] : memref<320000x128xf32, #tpu.memory_space<hbm>> -> memref<40x128xf32, #tpu.memory_space<hbm>>
    %dma_start3A_14 = tpu.memref_slice %arg16[%dma_start3A_7] : memref<2x!tpu.dma_semaphore, #tpu.memory_space<semaphore_mem>> -> memref<1x!tpu.dma_semaphore, #tpu.memory_space<semaphore_mem>>
    %dma_start3A_15 = tpu.memref_squeeze %dma_start3A_14 : memref<1x!tpu.dma_semaphore, #tpu.memory_space<semaphore_mem>> -> memref<!tpu.dma_semaphore, #tpu.memory_space<semaphore_mem>>
    %dma_start3A_16 = arith.constant 0 : i32
    %dma_start3A_17 = arith.constant 0 : i32
    %dma_start3A_18 = tpu.memref_slice %arg11[%dma_start3A, %dma_start3A_16, %dma_start3A_17] : memref<2x40x128xf32, #tpu.memory_space<vmem>> -> memref<1x40x128xf32, #tpu.memory_space<vmem>>
    %dma_start3A_19 = tpu.memref_squeeze %dma_start3A_18 : memref<1x40x128xf32, #tpu.memory_space<vmem>> -> memref<40x128xf32, #tpu.memory_space<vmem>>
    %dma_start3A_20 = arith.constant 0 : i32
    %dma_start3A_21 = tpu.memref_slice %arg2[%add3A_6, %dma_start3A_20] : memref<320000x128xf32, #tpu.memory_space<hbm>> -> memref<40x128xf32, #tpu.memory_space<hbm>>
    tpu.enqueue_dma source(%dma_start3A_21 : memref<40x128xf32, #tpu.memory_space<hbm>>) target(%dma_start3A_19 : memref<40x128xf32, #tpu.memory_space<vmem>>) target_semaphore(%dma_start3A_15 : memref<!tpu.dma_semaphore, #tpu.memory_space<semaphore_mem>>)
    %dma_start3A_22 = arith.constant 0 : i32
    %dma_start3A_23 = arith.constant 0 : i32
    %dma_start3A_24 = arith.constant 0 : i32
    %dma_start3A_25 = arith.constant 0 : i32
    %dma_start3A_26 = tpu.memref_slice %arg12[%dma_start3A_22, %dma_start3A_24, %dma_start3A_25] : memref<2x40x128xf32, #tpu.memory_space<vmem>> -> memref<1x40x128xf32, #tpu.memory_space<vmem>>
    %dma_start3A_27 = tpu.memref_squeeze %dma_start3A_26 : memref<1x40x128xf32, #tpu.memory_space<vmem>> -> memref<40x128xf32, #tpu.memory_space<vmem>>
    %dma_start3A_28 = arith.constant 0 : i32
    %dma_start3A_29 = tpu.memref_slice %arg3[%add3A_6, %dma_start3A_28] : memref<320000x128xf32, #tpu.memory_space<hbm>> -> memref<40x128xf32, #tpu.memory_space<hbm>>
    %dma_start3A_30 = tpu.memref_slice %arg16[%dma_start3A_23] : memref<2x!tpu.dma_semaphore, #tpu.memory_space<semaphore_mem>> -> memref<1x!tpu.dma_semaphore, #tpu.memory_space<semaphore_mem>>
    %dma_start3A_31 = tpu.memref_squeeze %dma_start3A_30 : memref<1x!tpu.dma_semaphore, #tpu.memory_space<semaphore_mem>> -> memref<!tpu.dma_semaphore, #tpu.memory_space<semaphore_mem>>
    %dma_start3A_32 = arith.constant 0 : i32
    %dma_start3A_33 = arith.constant 0 : i32
    %dma_start3A_34 = tpu.memref_slice %arg12[%dma_start3A_22, %dma_start3A_32, %dma_start3A_33] : memref<2x40x128xf32, #tpu.memory_space<vmem>> -> memref<1x40x128xf32, #tpu.memory_space<vmem>>
    %dma_start3A_35 = tpu.memref_squeeze %dma_start3A_34 : memref<1x40x128xf32, #tpu.memory_space<vmem>> -> memref<40x128xf32, #tpu.memory_space<vmem>>
    %dma_start3A_36 = arith.constant 0 : i32
    %dma_start3A_37 = tpu.memref_slice %arg3[%add3A_6, %dma_start3A_36] : memref<320000x128xf32, #tpu.memory_space<hbm>> -> memref<40x128xf32, #tpu.memory_space<hbm>>
    tpu.enqueue_dma source(%dma_start3A_37 : memref<40x128xf32, #tpu.memory_space<hbm>>) target(%dma_start3A_35 : memref<40x128xf32, #tpu.memory_space<vmem>>) target_semaphore(%dma_start3A_31 : memref<!tpu.dma_semaphore, #tpu.memory_space<semaphore_mem>>)
    %dma_start3A_38 = arith.constant 1 : i32
    %dma_start3A_39 = arith.constant 0 : i32
    %dma_start3A_40 = arith.constant 0 : i32
    %dma_start3A_41 = arith.constant 0 : i32
    %dma_start3A_42 = tpu.memref_slice %arg13[%dma_start3A_39, %dma_start3A_41] : memref<2x40xi32, #tpu.memory_space<vmem>> -> memref<1x40xi32, #tpu.memory_space<vmem>>
    %dma_start3A_43 = tpu.memref_squeeze %dma_start3A_42 : memref<1x40xi32, #tpu.memory_space<vmem>> -> memref<40xi32, #tpu.memory_space<vmem>>
    %dma_start3A_44 = tpu.memref_slice %arg4[%dma_start3A_38, %add3A_6] : memref<2x320000xi32, #tpu.memory_space<hbm>> -> memref<1x40xi32, #tpu.memory_space<hbm>>
    %dma_start3A_45 = tpu.memref_squeeze %dma_start3A_44 : memref<1x40xi32, #tpu.memory_space<hbm>> -> memref<40xi32, #tpu.memory_space<hbm>>
    %dma_start3A_46 = tpu.memref_slice %arg16[%dma_start3A_40] : memref<2x!tpu.dma_semaphore, #tpu.memory_space<semaphore_mem>> -> memref<1x!tpu.dma_semaphore, #tpu.memory_space<semaphore_mem>>
    %dma_start3A_47 = tpu.memref_squeeze %dma_start3A_46 : memref<1x!tpu.dma_semaphore, #tpu.memory_space<semaphore_mem>> -> memref<!tpu.dma_semaphore, #tpu.memory_space<semaphore_mem>>
    %dma_start3A_48 = arith.constant 0 : i32
    %dma_start3A_49 = tpu.memref_slice %arg13[%dma_start3A_39, %dma_start3A_48] : memref<2x40xi32, #tpu.memory_space<vmem>> -> memref<1x40xi32, #tpu.memory_space<vmem>>
    %dma_start3A_50 = tpu.memref_squeeze %dma_start3A_49 : memref<1x40xi32, #tpu.memory_space<vmem>> -> memref<40xi32, #tpu.memory_space<vmem>>
    %dma_start3A_51 = tpu.memref_slice %arg4[%dma_start3A_38, %add3A_6] : memref<2x320000xi32, #tpu.memory_space<hbm>> -> memref<1x40xi32, #tpu.memory_space<hbm>>
    %dma_start3A_52 = tpu.memref_squeeze %dma_start3A_51 : memref<1x40xi32, #tpu.memory_space<hbm>> -> memref<40xi32, #tpu.memory_space<hbm>>
    tpu.enqueue_dma source(%dma_start3A_52 : memref<40xi32, #tpu.memory_space<hbm>>) target(%dma_start3A_50 : memref<40xi32, #tpu.memory_space<vmem>>) target_semaphore(%dma_start3A_47 : memref<!tpu.dma_semaphore, #tpu.memory_space<semaphore_mem>>)
    %add3A_53 = arith.constant 40 : i32
    %add3A_54 = arith.addi %add3A, %add3A_53 : i32
    %dma_start3A_55 = arith.constant 1 : i32
    %dma_start3A_56 = arith.constant 1 : i32
    %dma_start3A_57 = arith.constant 0 : i32
    %dma_start3A_58 = arith.constant 0 : i32
    %dma_start3A_59 = tpu.memref_slice %arg11[%dma_start3A_55, %dma_start3A_57, %dma_start3A_58] : memref<2x40x128xf32, #tpu.memory_space<vmem>> -> memref<1x40x128xf32, #tpu.memory_space<vmem>>
    %dma_start3A_60 = tpu.memref_squeeze %dma_start3A_59 : memref<1x40x128xf32, #tpu.memory_space<vmem>> -> memref<40x128xf32, #tpu.memory_space<vmem>>
    %dma_start3A_61 = arith.constant 0 : i32
    %dma_start3A_62 = tpu.memref_slice %arg2[%add3A_54, %dma_start3A_61] : memref<320000x128xf32, #tpu.memory_space<hbm>> -> memref<40x128xf32, #tpu.memory_space<hbm>>
    %dma_start3A_63 = tpu.memref_slice %arg16[%dma_start3A_56] : memref<2x!tpu.dma_semaphore, #tpu.memory_space<semaphore_mem>> -> memref<1x!tpu.dma_semaphore, #tpu.memory_space<semaphore_mem>>
    %dma_start3A_64 = tpu.memref_squeeze %dma_start3A_63 : memref<1x!tpu.dma_semaphore, #tpu.memory_space<semaphore_mem>> -> memref<!tpu.dma_semaphore, #tpu.memory_space<semaphore_mem>>
    %dma_start3A_65 = arith.constant 0 : i32
    %dma_start3A_66 = arith.constant 0 : i32
    %dma_start3A_67 = tpu.memref_slice %arg11[%dma_start3A_55, %dma_start3A_65, %dma_start3A_66] : memref<2x40x128xf32, #tpu.memory_space<vmem>> -> memref<1x40x128xf32, #tpu.memory_space<vmem>>
    %dma_start3A_68 = tpu.memref_squeeze %dma_start3A_67 : memref<1x40x128xf32, #tpu.memory_space<vmem>> -> memref<40x128xf32, #tpu.memory_space<vmem>>
    %dma_start3A_69 = arith.constant 0 : i32
    %dma_start3A_70 = tpu.memref_slice %arg2[%add3A_54, %dma_start3A_69] : memref<320000x128xf32, #tpu.memory_space<hbm>> -> memref<40x128xf32, #tpu.memory_space<hbm>>
    tpu.enqueue_dma source(%dma_start3A_70 : memref<40x128xf32, #tpu.memory_space<hbm>>) target(%dma_start3A_68 : memref<40x128xf32, #tpu.memory_space<vmem>>) target_semaphore(%dma_start3A_64 : memref<!tpu.dma_semaphore, #tpu.memory_space<semaphore_mem>>)
    %dma_start3A_71 = arith.constant 1 : i32
    %dma_start3A_72 = arith.constant 1 : i32
    %dma_start3A_73 = arith.constant 0 : i32
    %dma_start3A_74 = arith.constant 0 : i32
    %dma_start3A_75 = tpu.memref_slice %arg12[%dma_start3A_71, %dma_start3A_73, %dma_start3A_74] : memref<2x40x128xf32, #tpu.memory_space<vmem>> -> memref<1x40x128xf32, #tpu.memory_space<vmem>>
    %dma_start3A_76 = tpu.memref_squeeze %dma_start3A_75 : memref<1x40x128xf32, #tpu.memory_space<vmem>> -> memref<40x128xf32, #tpu.memory_space<vmem>>
    %dma_start3A_77 = arith.constant 0 : i32
    %dma_start3A_78 = tpu.memref_slice %arg3[%add3A_54, %dma_start3A_77] : memref<320000x128xf32, #tpu.memory_space<hbm>> -> memref<40x128xf32, #tpu.memory_space<hbm>>
    %dma_start3A_79 = tpu.memref_slice %arg16[%dma_start3A_72] : memref<2x!tpu.dma_semaphore, #tpu.memory_space<semaphore_mem>> -> memref<1x!tpu.dma_semaphore, #tpu.memory_space<semaphore_mem>>
    %dma_start3A_80 = tpu.memref_squeeze %dma_start3A_79 : memref<1x!tpu.dma_semaphore, #tpu.memory_space<semaphore_mem>> -> memref<!tpu.dma_semaphore, #tpu.memory_space<semaphore_mem>>
    %dma_start3A_81 = arith.constant 0 : i32
    %dma_start3A_82 = arith.constant 0 : i32
    %dma_start3A_83 = tpu.memref_slice %arg12[%dma_start3A_71, %dma_start3A_81, %dma_start3A_82] : memref<2x40x128xf32, #tpu.memory_space<vmem>> -> memref<1x40x128xf32, #tpu.memory_space<vmem>>
    %dma_start3A_84 = tpu.memref_squeeze %dma_start3A_83 : memref<1x40x128xf32, #tpu.memory_space<vmem>> -> memref<40x128xf32, #tpu.memory_space<vmem>>
    %dma_start3A_85 = arith.constant 0 : i32
    %dma_start3A_86 = tpu.memref_slice %arg3[%add3A_54, %dma_start3A_85] : memref<320000x128xf32, #tpu.memory_space<hbm>> -> memref<40x128xf32, #tpu.memory_space<hbm>>
    tpu.enqueue_dma source(%dma_start3A_86 : memref<40x128xf32, #tpu.memory_space<hbm>>) target(%dma_start3A_84 : memref<40x128xf32, #tpu.memory_space<vmem>>) target_semaphore(%dma_start3A_80 : memref<!tpu.dma_semaphore, #tpu.memory_space<semaphore_mem>>)
    %dma_start3A_87 = arith.constant 1 : i32
    %dma_start3A_88 = arith.constant 1 : i32
    %dma_start3A_89 = arith.constant 1 : i32
    %dma_start3A_90 = arith.constant 0 : i32
    %dma_start3A_91 = tpu.memref_slice %arg13[%dma_start3A_88, %dma_start3A_90] : memref<2x40xi32, #tpu.memory_space<vmem>> -> memref<1x40xi32, #tpu.memory_space<vmem>>
    %dma_start3A_92 = tpu.memref_squeeze %dma_start3A_91 : memref<1x40xi32, #tpu.memory_space<vmem>> -> memref<40xi32, #tpu.memory_space<vmem>>
    %dma_start3A_93 = tpu.memref_slice %arg4[%dma_start3A_87, %add3A_54] : memref<2x320000xi32, #tpu.memory_space<hbm>> -> memref<1x40xi32, #tpu.memory_space<hbm>>
    %dma_start3A_94 = tpu.memref_squeeze %dma_start3A_93 : memref<1x40xi32, #tpu.memory_space<hbm>> -> memref<40xi32, #tpu.memory_space<hbm>>
    %dma_start3A_95 = tpu.memref_slice %arg16[%dma_start3A_89] : memref<2x!tpu.dma_semaphore, #tpu.memory_space<semaphore_mem>> -> memref<1x!tpu.dma_semaphore, #tpu.memory_space<semaphore_mem>>
    %dma_start3A_96 = tpu.memref_squeeze %dma_start3A_95 : memref<1x!tpu.dma_semaphore, #tpu.memory_space<semaphore_mem>> -> memref<!tpu.dma_semaphore, #tpu.memory_space<semaphore_mem>>
    %dma_start3A_97 = arith.constant 0 : i32
    %dma_start3A_98 = tpu.memref_slice %arg13[%dma_start3A_88, %dma_start3A_97] : memref<2x40xi32, #tpu.memory_space<vmem>> -> memref<1x40xi32, #tpu.memory_space<vmem>>
    %dma_start3A_99 = tpu.memref_squeeze %dma_start3A_98 : memref<1x40xi32, #tpu.memory_space<vmem>> -> memref<40xi32, #tpu.memory_space<vmem>>
    %dma_start3A_100 = tpu.memref_slice %arg4[%dma_start3A_87, %add3A_54] : memref<2x320000xi32, #tpu.memory_space<hbm>> -> memref<1x40xi32, #tpu.memory_space<hbm>>
    %dma_start3A_101 = tpu.memref_squeeze %dma_start3A_100 : memref<1x40xi32, #tpu.memory_space<hbm>> -> memref<40xi32, #tpu.memory_space<hbm>>
    tpu.enqueue_dma source(%dma_start3A_101 : memref<40xi32, #tpu.memory_space<hbm>>) target(%dma_start3A_99 : memref<40xi32, #tpu.memory_space<vmem>>) target_semaphore(%dma_start3A_96 : memref<!tpu.dma_semaphore, #tpu.memory_space<semaphore_mem>>)
    %scan3A = arith.constant 0 : i32
    %scan3A_102 = arith.constant 0 : i32
    %scan3A_103 = arith.constant 125 : i32
    %scan3A_104 = arith.addi %scan3A_102, %scan3A_103 : i32
    %scan3A_105 = arith.constant 1 : i32
    scf.for %scan3A_108 = %scan3A_102 to %scan3A_104 step %scan3A_105  : i32 {
      %mul3A_109 = arith.constant 2 : i32
      %mul3A_110 = arith.muli %mul3A_109, %scan3A_108 : i32
      %add3A_111 = arith.constant 0 : i32
      %add3A_112 = arith.addi %mul3A_110, %add3A_111 : i32
      %dma_wait3A = arith.constant 0 : i32
      %dma_wait3A_113 = arith.constant 0 : i32
      %dma_wait3A_114 = arith.constant 0 : i32
      %dma_wait3A_115 = arith.constant 0 : i32
      %dma_wait3A_116 = tpu.memref_slice %arg11[%dma_wait3A, %dma_wait3A_114, %dma_wait3A_115] : memref<2x40x128xf32, #tpu.memory_space<vmem>> -> memref<1x40x128xf32, #tpu.memory_space<vmem>>
      %dma_wait3A_117 = tpu.memref_squeeze %dma_wait3A_116 : memref<1x40x128xf32, #tpu.memory_space<vmem>> -> memref<40x128xf32, #tpu.memory_space<vmem>>
      %dma_wait3A_118 = arith.constant 0 : i32
      %dma_wait3A_119 = arith.constant 0 : i32
      %dma_wait3A_120 = tpu.memref_slice %arg2[%dma_wait3A_118, %dma_wait3A_119] : memref<320000x128xf32, #tpu.memory_space<hbm>> -> memref<40x128xf32, #tpu.memory_space<hbm>>
      %dma_wait3A_121 = tpu.memref_slice %arg16[%dma_wait3A_113] : memref<2x!tpu.dma_semaphore, #tpu.memory_space<semaphore_mem>> -> memref<1x!tpu.dma_semaphore, #tpu.memory_space<semaphore_mem>>
      %dma_wait3A_122 = tpu.memref_squeeze %dma_wait3A_121 : memref<1x!tpu.dma_semaphore, #tpu.memory_space<semaphore_mem>> -> memref<!tpu.dma_semaphore, #tpu.memory_space<semaphore_mem>>
      %dma_wait3A_123 = arith.constant 0 : i32
      %dma_wait3A_124 = arith.constant 0 : i32
      %dma_wait3A_125 = tpu.memref_slice %arg11[%dma_wait3A, %dma_wait3A_123, %dma_wait3A_124] : memref<2x40x128xf32, #tpu.memory_space<vmem>> -> memref<1x40x128xf32, #tpu.memory_space<vmem>>
      %dma_wait3A_126 = tpu.memref_squeeze %dma_wait3A_125 : memref<1x40x128xf32, #tpu.memory_space<vmem>> -> memref<40x128xf32, #tpu.memory_space<vmem>>
      %dma_wait3A_127 = arith.constant 0 : i32
      %dma_wait3A_128 = arith.constant 0 : i32
      %dma_wait3A_129 = tpu.memref_slice %arg2[%dma_wait3A_127, %dma_wait3A_128] : memref<320000x128xf32, #tpu.memory_space<hbm>> -> memref<40x128xf32, #tpu.memory_space<hbm>>
      tpu.wait_dma2 semaphore(%dma_wait3A_122 : memref<!tpu.dma_semaphore, #tpu.memory_space<semaphore_mem>>) src(%dma_wait3A_129 : memref<40x128xf32, #tpu.memory_space<hbm>>) dst(%dma_wait3A_126 : memref<40x128xf32, #tpu.memory_space<vmem>>)
      %dma_wait3A_130 = arith.constant 0 : i32
      %dma_wait3A_131 = arith.constant 0 : i32
      %dma_wait3A_132 = arith.constant 0 : i32
      %dma_wait3A_133 = arith.constant 0 : i32
      %dma_wait3A_134 = tpu.memref_slice %arg12[%dma_wait3A_130, %dma_wait3A_132, %dma_wait3A_133] : memref<2x40x128xf32, #tpu.memory_space<vmem>> -> memref<1x40x128xf32, #tpu.memory_space<vmem>>
      %dma_wait3A_135 = tpu.memref_squeeze %dma_wait3A_134 : memref<1x40x128xf32, #tpu.memory_space<vmem>> -> memref<40x128xf32, #tpu.memory_space<vmem>>
      %dma_wait3A_136 = arith.constant 0 : i32
      %dma_wait3A_137 = arith.constant 0 : i32
      %dma_wait3A_138 = tpu.memref_slice %arg3[%dma_wait3A_136, %dma_wait3A_137] : memref<320000x128xf32, #tpu.memory_space<hbm>> -> memref<40x128xf32, #tpu.memory_space<hbm>>
      %dma_wait3A_139 = tpu.memref_slice %arg16[%dma_wait3A_131] : memref<2x!tpu.dma_semaphore, #tpu.memory_space<semaphore_mem>> -> memref<1x!tpu.dma_semaphore, #tpu.memory_space<semaphore_mem>>
      %dma_wait3A_140 = tpu.memref_squeeze %dma_wait3A_139 : memref<1x!tpu.dma_semaphore, #tpu.memory_space<semaphore_mem>> -> memref<!tpu.dma_semaphore, #tpu.memory_space<semaphore_mem>>
      %dma_wait3A_141 = arith.constant 0 : i32
      %dma_wait3A_142 = arith.constant 0 : i32
      %dma_wait3A_143 = tpu.memref_slice %arg12[%dma_wait3A_130, %dma_wait3A_141, %dma_wait3A_142] : memref<2x40x128xf32, #tpu.memory_space<vmem>> -> memref<1x40x128xf32, #tpu.memory_space<vmem>>
      %dma_wait3A_144 = tpu.memref_squeeze %dma_wait3A_143 : memref<1x40x128xf32, #tpu.memory_space<vmem>> -> memref<40x128xf32, #tpu.memory_space<vmem>>
      %dma_wait3A_145 = arith.constant 0 : i32
      %dma_wait3A_146 = arith.constant 0 : i32
      %dma_wait3A_147 = tpu.memref_slice %arg3[%dma_wait3A_145, %dma_wait3A_146] : memref<320000x128xf32, #tpu.memory_space<hbm>> -> memref<40x128xf32, #tpu.memory_space<hbm>>
      tpu.wait_dma2 semaphore(%dma_wait3A_140 : memref<!tpu.dma_semaphore, #tpu.memory_space<semaphore_mem>>) src(%dma_wait3A_147 : memref<40x128xf32, #tpu.memory_space<hbm>>) dst(%dma_wait3A_144 : memref<40x128xf32, #tpu.memory_space<vmem>>)
      %dma_wait3A_148 = arith.constant 1 : i32
      %dma_wait3A_149 = arith.constant 0 : i32
      %dma_wait3A_150 = arith.constant 0 : i32
      %dma_wait3A_151 = arith.constant 0 : i32
      %dma_wait3A_152 = tpu.memref_slice %arg13[%dma_wait3A_149, %dma_wait3A_151] : memref<2x40xi32, #tpu.memory_space<vmem>> -> memref<1x40xi32, #tpu.memory_space<vmem>>
      %dma_wait3A_153 = tpu.memref_squeeze %dma_wait3A_152 : memref<1x40xi32, #tpu.memory_space<vmem>> -> memref<40xi32, #tpu.memory_space<vmem>>
      %dma_wait3A_154 = arith.constant 0 : i32
      %dma_wait3A_155 = tpu.memref_slice %arg4[%dma_wait3A_148, %dma_wait3A_154] : memref<2x320000xi32, #tpu.memory_space<hbm>> -> memref<1x40xi32, #tpu.memory_space<hbm>>
      %dma_wait3A_156 = tpu.memref_squeeze %dma_wait3A_155 : memref<1x40xi32, #tpu.memory_space<hbm>> -> memref<40xi32, #tpu.memory_space<hbm>>
      %dma_wait3A_157 = tpu.memref_slice %arg16[%dma_wait3A_150] : memref<2x!tpu.dma_semaphore, #tpu.memory_space<semaphore_mem>> -> memref<1x!tpu.dma_semaphore, #tpu.memory_space<semaphore_mem>>
      %dma_wait3A_158 = tpu.memref_squeeze %dma_wait3A_157 : memref<1x!tpu.dma_semaphore, #tpu.memory_space<semaphore_mem>> -> memref<!tpu.dma_semaphore, #tpu.memory_space<semaphore_mem>>
      %dma_wait3A_159 = arith.constant 0 : i32
      %dma_wait3A_160 = tpu.memref_slice %arg13[%dma_wait3A_149, %dma_wait3A_159] : memref<2x40xi32, #tpu.memory_space<vmem>> -> memref<1x40xi32, #tpu.memory_space<vmem>>
      %dma_wait3A_161 = tpu.memref_squeeze %dma_wait3A_160 : memref<1x40xi32, #tpu.memory_space<vmem>> -> memref<40xi32, #tpu.memory_space<vmem>>
      %dma_wait3A_162 = arith.constant 0 : i32
      %dma_wait3A_163 = tpu.memref_slice %arg4[%dma_wait3A_148, %dma_wait3A_162] : memref<2x320000xi32, #tpu.memory_space<hbm>> -> memref<1x40xi32, #tpu.memory_space<hbm>>
      %dma_wait3A_164 = tpu.memref_squeeze %dma_wait3A_163 : memref<1x40xi32, #tpu.memory_space<hbm>> -> memref<40xi32, #tpu.memory_space<hbm>>
      tpu.wait_dma2 semaphore(%dma_wait3A_158 : memref<!tpu.dma_semaphore, #tpu.memory_space<semaphore_mem>>) src(%dma_wait3A_164 : memref<40xi32, #tpu.memory_space<hbm>>) dst(%dma_wait3A_161 : memref<40xi32, #tpu.memory_space<vmem>>)
      %scan3A_165 = arith.constant 0 : i32
      %scan3A_166 = arith.constant 0 : i32
      %scan3A_167 = arith.constant 40 : i32
      %scan3A_168 = arith.addi %scan3A_166, %scan3A_167 : i32
      %scan3A_169 = arith.constant 1 : i32
      scf.for %scan3A_252 = %scan3A_166 to %scan3A_168 step %scan3A_169  : i32 {
        %broadcast_in_dim3A = arith.constant 0.000000e+00 : f32
        %broadcast_in_dim3A_253 = vector.broadcast %broadcast_in_dim3A : f32 to vector<16xf32>
        %get3A = arith.constant 0 : i32
        %get3A_254 = arith.index_cast %get3A : i32 to index
        %get3A_255 = arith.index_cast %scan3A_252 : i32 to index
        %get3A_256 = arith.constant 0 : index
        %get3A_257 = tpu.vector_load %arg12[%get3A_254, %get3A_255, %get3A_256] {strides = array<i32>} : memref<2x40x128xf32, #tpu.memory_space<vmem>>, vector<1x1x16xf32>,
        %get3A_258 = vector.shape_cast %get3A_257 : vector<1x1x16xf32> to vector<16xf32>
        %get3A_259 = arith.constant 0 : i32
        %get3A_260 = arith.index_cast %get3A_259 : i32 to index
        %get3A_261 = arith.index_cast %scan3A_252 : i32 to index
        %get3A_262 = arith.constant 0 : index
        %get3A_263 = tpu.vector_load %arg11[%get3A_260, %get3A_261, %get3A_262] {strides = array<i32>} : memref<2x40x128xf32, #tpu.memory_space<vmem>>, vector<1x1x16xf32>,
        %get3A_264 = vector.shape_cast %get3A_263 : vector<1x1x16xf32> to vector<16xf32>
        %mul3A_265 = arith.mulf %get3A_264, %get3A_258 : vector<16xf32>
        %swap3A = arith.constant 0 : i32
        %swap3A_266 = arith.index_cast %swap3A : i32 to index
        %swap3A_267 = arith.index_cast %scan3A_252 : i32 to index
        %swap3A_268 = arith.constant 0 : index
        %swap3A_269 = tpu.vector_load %arg14[%swap3A_266, %swap3A_267, %swap3A_268] {strides = array<i32>} : memref<2x40x128xf32, #tpu.memory_space<vmem>>, vector<1x1x16xf32>,
        %swap3A_270 = vector.shape_cast %swap3A_269 : vector<1x1x16xf32> to vector<16xf32>
        %swap3A_271 = vector.shape_cast %mul3A_265 : vector<16xf32> to vector<1x1x16xf32>
        tpu.vector_store %arg14[%swap3A_266, %swap3A_267, %swap3A_268], %swap3A_271 {strides = array<i32>} : memref<2x40x128xf32, #tpu.memory_space<vmem>>, vector<1x1x16xf32>,
        %eq3A = arith.constant 0 : i32
        %eq3A_272 = vector.broadcast %eq3A : i32 to vector<16xi32>
        %eq3A_273 = arith.cmpi eq, %iota3A, %eq3A_272 : vector<16xi32>
        %slice3A = vector.extract_strided_slice %get3A_258 {offsets = [0], sizes = [1], strides = [1]} : vector<16xf32> to vector<1xf32>
        %squeeze3A = vector.extract %slice3A[0] : f32 from vector<1xf32>
        %broadcast_in_dim3A_274 = vector.broadcast %squeeze3A : f32 to vector<16xf32>
        %select_n3A = arith.select %eq3A_273, %broadcast_in_dim3A_274, %broadcast_in_dim3A_253 : vector<16xi1>, vector<16xf32>
        %get3A_275 = arith.constant 0 : i32
        %get3A_276 = arith.index_cast %get3A_275 : i32 to index
        %get3A_277 = arith.index_cast %scan3A_252 : i32 to index
        %get3A_278 = arith.constant 16 : index
        %get3A_279 = tpu.vector_load %arg12[%get3A_276, %get3A_277, %get3A_278] {strides = array<i32>} : memref<2x40x128xf32, #tpu.memory_space<vmem>>, vector<1x1x16xf32>,
        %get3A_280 = vector.shape_cast %get3A_279 : vector<1x1x16xf32> to vector<16xf32>
        %get3A_281 = arith.constant 0 : i32
        %get3A_282 = arith.index_cast %get3A_281 : i32 to index
        %get3A_283 = arith.index_cast %scan3A_252 : i32 to index
        %get3A_284 = arith.constant 16 : index
        %get3A_285 = tpu.vector_load %arg11[%get3A_282, %get3A_283, %get3A_284] {strides = array<i32>} : memref<2x40x128xf32, #tpu.memory_space<vmem>>, vector<1x1x16xf32>,
        %get3A_286 = vector.shape_cast %get3A_285 : vector<1x1x16xf32> to vector<16xf32>
        %mul3A_287 = arith.mulf %get3A_286, %get3A_280 : vector<16xf32>
        %swap3A_288 = arith.constant 0 : i32
        %swap3A_289 = arith.index_cast %swap3A_288 : i32 to index
        %swap3A_290 = arith.index_cast %scan3A_252 : i32 to index
        %swap3A_291 = arith.constant 16 : index
        %swap3A_292 = tpu.vector_load %arg14[%swap3A_289, %swap3A_290, %swap3A_291] {strides = array<i32>} : memref<2x40x128xf32, #tpu.memory_space<vmem>>, vector<1x1x16xf32>,
        %swap3A_293 = vector.shape_cast %swap3A_292 : vector<1x1x16xf32> to vector<16xf32>
        %swap3A_294 = vector.shape_cast %mul3A_287 : vector<16xf32> to vector<1x1x16xf32>
        tpu.vector_store %arg14[%swap3A_289, %swap3A_290, %swap3A_291], %swap3A_294 {strides = array<i32>} : memref<2x40x128xf32, #tpu.memory_space<vmem>>, vector<1x1x16xf32>,
        %eq3A_295 = arith.constant 1 : i32
        %eq3A_296 = vector.broadcast %eq3A_295 : i32 to vector<16xi32>
        %eq3A_297 = arith.cmpi eq, %iota3A, %eq3A_296 : vector<16xi32>
        %slice3A_298 = vector.extract_strided_slice %get3A_280 {offsets = [0], sizes = [1], strides = [1]} : vector<16xf32> to vector<1xf32>
        %squeeze3A_299 = vector.extract %slice3A_298[0] : f32 from vector<1xf32>
        %broadcast_in_dim3A_300 = vector.broadcast %squeeze3A_299 : f32 to vector<16xf32>
        %select_n3A_301 = arith.select %eq3A_297, %broadcast_in_dim3A_300, %select_n3A : vector<16xi1>, vector<16xf32>
        %get3A_302 = arith.constant 0 : i32
        %get3A_303 = arith.index_cast %get3A_302 : i32 to index
        %get3A_304 = arith.index_cast %scan3A_252 : i32 to index
        %get3A_305 = arith.constant 32 : index
        %get3A_306 = tpu.vector_load %arg12[%get3A_303, %get3A_304, %get3A_305] {strides = array<i32>} : memref<2x40x128xf32, #tpu.memory_space<vmem>>, vector<1x1x16xf32>,
        %get3A_307 = vector.shape_cast %get3A_306 : vector<1x1x16xf32> to vector<16xf32>
        %get3A_308 = arith.constant 0 : i32
        %get3A_309 = arith.index_cast %get3A_308 : i32 to index
        %get3A_310 = arith.index_cast %scan3A_252 : i32 to index
        %get3A_311 = arith.constant 32 : index
        %get3A_312 = tpu.vector_load %arg11[%get3A_309, %get3A_310, %get3A_311] {strides = array<i32>} : memref<2x40x128xf32, #tpu.memory_space<vmem>>, vector<1x1x16xf32>,
        %get3A_313 = vector.shape_cast %get3A_312 : vector<1x1x16xf32> to vector<16xf32>
        %mul3A_314 = arith.mulf %get3A_313, %get3A_307 : vector<16xf32>
        %swap3A_315 = arith.constant 0 : i32
        %swap3A_316 = arith.index_cast %swap3A_315 : i32 to index
        %swap3A_317 = arith.index_cast %scan3A_252 : i32 to index
        %swap3A_318 = arith.constant 32 : index
        %swap3A_319 = tpu.vector_load %arg14[%swap3A_316, %swap3A_317, %swap3A_318] {strides = array<i32>} : memref<2x40x128xf32, #tpu.memory_space<vmem>>, vector<1x1x16xf32>,
        %swap3A_320 = vector.shape_cast %swap3A_319 : vector<1x1x16xf32> to vector<16xf32>
        %swap3A_321 = vector.shape_cast %mul3A_314 : vector<16xf32> to vector<1x1x16xf32>
        tpu.vector_store %arg14[%swap3A_316, %swap3A_317, %swap3A_318], %swap3A_321 {strides = array<i32>} : memref<2x40x128xf32, #tpu.memory_space<vmem>>, vector<1x1x16xf32>,
        %eq3A_322 = arith.constant 2 : i32
        %eq3A_323 = vector.broadcast %eq3A_322 : i32 to vector<16xi32>
        %eq3A_324 = arith.cmpi eq, %iota3A, %eq3A_323 : vector<16xi32>
        %slice3A_325 = vector.extract_strided_slice %get3A_307 {offsets = [0], sizes = [1], strides = [1]} : vector<16xf32> to vector<1xf32>
        %squeeze3A_326 = vector.extract %slice3A_325[0] : f32 from vector<1xf32>
        %broadcast_in_dim3A_327 = vector.broadcast %squeeze3A_326 : f32 to vector<16xf32>
        %select_n3A_328 = arith.select %eq3A_324, %broadcast_in_dim3A_327, %select_n3A_301 : vector<16xi1>, vector<16xf32>
        %get3A_329 = arith.constant 0 : i32
        %get3A_330 = arith.index_cast %get3A_329 : i32 to index
        %get3A_331 = arith.index_cast %scan3A_252 : i32 to index
        %get3A_332 = arith.constant 48 : index
        %get3A_333 = tpu.vector_load %arg12[%get3A_330, %get3A_331, %get3A_332] {strides = array<i32>} : memref<2x40x128xf32, #tpu.memory_space<vmem>>, vector<1x1x16xf32>,
        %get3A_334 = vector.shape_cast %get3A_333 : vector<1x1x16xf32> to vector<16xf32>
        %get3A_335 = arith.constant 0 : i32
        %get3A_336 = arith.index_cast %get3A_335 : i32 to index
        %get3A_337 = arith.index_cast %scan3A_252 : i32 to index
        %get3A_338 = arith.constant 48 : index
        %get3A_339 = tpu.vector_load %arg11[%get3A_336, %get3A_337, %get3A_338] {strides = array<i32>} : memref<2x40x128xf32, #tpu.memory_space<vmem>>, vector<1x1x16xf32>,
        %get3A_340 = vector.shape_cast %get3A_339 : vector<1x1x16xf32> to vector<16xf32>
        %mul3A_341 = arith.mulf %get3A_340, %get3A_334 : vector<16xf32>
        %swap3A_342 = arith.constant 0 : i32
        %swap3A_343 = arith.index_cast %swap3A_342 : i32 to index
        %swap3A_344 = arith.index_cast %scan3A_252 : i32 to index
        %swap3A_345 = arith.constant 48 : index
        %swap3A_346 = tpu.vector_load %arg14[%swap3A_343, %swap3A_344, %swap3A_345] {strides = array<i32>} : memref<2x40x128xf32, #tpu.memory_space<vmem>>, vector<1x1x16xf32>,
        %swap3A_347 = vector.shape_cast %swap3A_346 : vector<1x1x16xf32> to vector<16xf32>
        %swap3A_348 = vector.shape_cast %mul3A_341 : vector<16xf32> to vector<1x1x16xf32>
        tpu.vector_store %arg14[%swap3A_343, %swap3A_344, %swap3A_345], %swap3A_348 {strides = array<i32>} : memref<2x40x128xf32, #tpu.memory_space<vmem>>, vector<1x1x16xf32>,
        %eq3A_349 = arith.constant 3 : i32
        %eq3A_350 = vector.broadcast %eq3A_349 : i32 to vector<16xi32>
        %eq3A_351 = arith.cmpi eq, %iota3A, %eq3A_350 : vector<16xi32>
        %slice3A_352 = vector.extract_strided_slice %get3A_334 {offsets = [0], sizes = [1], strides = [1]} : vector<16xf32> to vector<1xf32>
        %squeeze3A_353 = vector.extract %slice3A_352[0] : f32 from vector<1xf32>
        %broadcast_in_dim3A_354 = vector.broadcast %squeeze3A_353 : f32 to vector<16xf32>
        %select_n3A_355 = arith.select %eq3A_351, %broadcast_in_dim3A_354, %select_n3A_328 : vector<16xi1>, vector<16xf32>
        %get3A_356 = arith.constant 0 : i32
        %get3A_357 = arith.index_cast %get3A_356 : i32 to index
        %get3A_358 = arith.index_cast %scan3A_252 : i32 to index
        %get3A_359 = arith.constant 64 : index
        %get3A_360 = tpu.vector_load %arg12[%get3A_357, %get3A_358, %get3A_359] {strides = array<i32>} : memref<2x40x128xf32, #tpu.memory_space<vmem>>, vector<1x1x16xf32>,
        %get3A_361 = vector.shape_cast %get3A_360 : vector<1x1x16xf32> to vector<16xf32>
        %get3A_362 = arith.constant 0 : i32
        %get3A_363 = arith.index_cast %get3A_362 : i32 to index
        %get3A_364 = arith.index_cast %scan3A_252 : i32 to index
        %get3A_365 = arith.constant 64 : index
        %get3A_366 = tpu.vector_load %arg11[%get3A_363, %get3A_364, %get3A_365] {strides = array<i32>} : memref<2x40x128xf32, #tpu.memory_space<vmem>>, vector<1x1x16xf32>,
        %get3A_367 = vector.shape_cast %get3A_366 : vector<1x1x16xf32> to vector<16xf32>
        %mul3A_368 = arith.mulf %get3A_367, %get3A_361 : vector<16xf32>
        %swap3A_369 = arith.constant 0 : i32
        %swap3A_370 = arith.index_cast %swap3A_369 : i32 to index
        %swap3A_371 = arith.index_cast %scan3A_252 : i32 to index
        %swap3A_372 = arith.constant 64 : index
        %swap3A_373 = tpu.vector_load %arg14[%swap3A_370, %swap3A_371, %swap3A_372] {strides = array<i32>} : memref<2x40x128xf32, #tpu.memory_space<vmem>>, vector<1x1x16xf32>,
        %swap3A_374 = vector.shape_cast %swap3A_373 : vector<1x1x16xf32> to vector<16xf32>
        %swap3A_375 = vector.shape_cast %mul3A_368 : vector<16xf32> to vector<1x1x16xf32>
        tpu.vector_store %arg14[%swap3A_370, %swap3A_371, %swap3A_372], %swap3A_375 {strides = array<i32>} : memref<2x40x128xf32, #tpu.memory_space<vmem>>, vector<1x1x16xf32>,
        %eq3A_376 = arith.constant 4 : i32
        %eq3A_377 = vector.broadcast %eq3A_376 : i32 to vector<16xi32>
        %eq3A_378 = arith.cmpi eq, %iota3A, %eq3A_377 : vector<16xi32>
        %slice3A_379 = vector.extract_strided_slice %get3A_361 {offsets = [0], sizes = [1], strides = [1]} : vector<16xf32> to vector<1xf32>
        %squeeze3A_380 = vector.extract %slice3A_379[0] : f32 from vector<1xf32>
        %broadcast_in_dim3A_381 = vector.broadcast %squeeze3A_380 : f32 to vector<16xf32>
        %select_n3A_382 = arith.select %eq3A_378, %broadcast_in_dim3A_381, %select_n3A_355 : vector<16xi1>, vector<16xf32>
        %get3A_383 = arith.constant 0 : i32
        %get3A_384 = arith.index_cast %get3A_383 : i32 to index
        %get3A_385 = arith.index_cast %scan3A_252 : i32 to index
        %get3A_386 = arith.constant 80 : index
        %get3A_387 = tpu.vector_load %arg12[%get3A_384, %get3A_385, %get3A_386] {strides = array<i32>} : memref<2x40x128xf32, #tpu.memory_space<vmem>>, vector<1x1x16xf32>,
        %get3A_388 = vector.shape_cast %get3A_387 : vector<1x1x16xf32> to vector<16xf32>
        %get3A_389 = arith.constant 0 : i32
        %get3A_390 = arith.index_cast %get3A_389 : i32 to index
        %get3A_391 = arith.index_cast %scan3A_252 : i32 to index
        %get3A_392 = arith.constant 80 : index
        %get3A_393 = tpu.vector_load %arg11[%get3A_390, %get3A_391, %get3A_392] {strides = array<i32>} : memref<2x40x128xf32, #tpu.memory_space<vmem>>, vector<1x1x16xf32>,
        %get3A_394 = vector.shape_cast %get3A_393 : vector<1x1x16xf32> to vector<16xf32>
        %mul3A_395 = arith.mulf %get3A_394, %get3A_388 : vector<16xf32>
        %swap3A_396 = arith.constant 0 : i32
        %swap3A_397 = arith.index_cast %swap3A_396 : i32 to index
        %swap3A_398 = arith.index_cast %scan3A_252 : i32 to index
        %swap3A_399 = arith.constant 80 : index
        %swap3A_400 = tpu.vector_load %arg14[%swap3A_397, %swap3A_398, %swap3A_399] {strides = array<i32>} : memref<2x40x128xf32, #tpu.memory_space<vmem>>, vector<1x1x16xf32>,
        %swap3A_401 = vector.shape_cast %swap3A_400 : vector<1x1x16xf32> to vector<16xf32>
        %swap3A_402 = vector.shape_cast %mul3A_395 : vector<16xf32> to vector<1x1x16xf32>
        tpu.vector_store %arg14[%swap3A_397, %swap3A_398, %swap3A_399], %swap3A_402 {strides = array<i32>} : memref<2x40x128xf32, #tpu.memory_space<vmem>>, vector<1x1x16xf32>,
        %eq3A_403 = arith.constant 5 : i32
        %eq3A_404 = vector.broadcast %eq3A_403 : i32 to vector<16xi32>
        %eq3A_405 = arith.cmpi eq, %iota3A, %eq3A_404 : vector<16xi32>
        %slice3A_406 = vector.extract_strided_slice %get3A_388 {offsets = [0], sizes = [1], strides = [1]} : vector<16xf32> to vector<1xf32>
        %squeeze3A_407 = vector.extract %slice3A_406[0] : f32 from vector<1xf32>
        %broadcast_in_dim3A_408 = vector.broadcast %squeeze3A_407 : f32 to vector<16xf32>
        %select_n3A_409 = arith.select %eq3A_405, %broadcast_in_dim3A_408, %select_n3A_382 : vector<16xi1>, vector<16xf32>
        %get3A_410 = arith.constant 0 : i32
        %get3A_411 = arith.index_cast %get3A_410 : i32 to index
        %get3A_412 = arith.index_cast %scan3A_252 : i32 to index
        %get3A_413 = arith.constant 96 : index
        %get3A_414 = tpu.vector_load %arg12[%get3A_411, %get3A_412, %get3A_413] {strides = array<i32>} : memref<2x40x128xf32, #tpu.memory_space<vmem>>, vector<1x1x16xf32>,
        %get3A_415 = vector.shape_cast %get3A_414 : vector<1x1x16xf32> to vector<16xf32>
        %get3A_416 = arith.constant 0 : i32
        %get3A_417 = arith.index_cast %get3A_416 : i32 to index
        %get3A_418 = arith.index_cast %scan3A_252 : i32 to index
        %get3A_419 = arith.constant 96 : index
        %get3A_420 = tpu.vector_load %arg11[%get3A_417, %get3A_418, %get3A_419] {strides = array<i32>} : memref<2x40x128xf32, #tpu.memory_space<vmem>>, vector<1x1x16xf32>,
        %get3A_421 = vector.shape_cast %get3A_420 : vector<1x1x16xf32> to vector<16xf32>
        %mul3A_422 = arith.mulf %get3A_421, %get3A_415 : vector<16xf32>
        %swap3A_423 = arith.constant 0 : i32
        %swap3A_424 = arith.index_cast %swap3A_423 : i32 to index
        %swap3A_425 = arith.index_cast %scan3A_252 : i32 to index
        %swap3A_426 = arith.constant 96 : index
        %swap3A_427 = tpu.vector_load %arg14[%swap3A_424, %swap3A_425, %swap3A_426] {strides = array<i32>} : memref<2x40x128xf32, #tpu.memory_space<vmem>>, vector<1x1x16xf32>,
        %swap3A_428 = vector.shape_cast %swap3A_427 : vector<1x1x16xf32> to vector<16xf32>
        %swap3A_429 = vector.shape_cast %mul3A_422 : vector<16xf32> to vector<1x1x16xf32>
        tpu.vector_store %arg14[%swap3A_424, %swap3A_425, %swap3A_426], %swap3A_429 {strides = array<i32>} : memref<2x40x128xf32, #tpu.memory_space<vmem>>, vector<1x1x16xf32>,
        %eq3A_430 = arith.constant 6 : i32
        %eq3A_431 = vector.broadcast %eq3A_430 : i32 to vector<16xi32>
        %eq3A_432 = arith.cmpi eq, %iota3A, %eq3A_431 : vector<16xi32>
        %slice3A_433 = vector.extract_strided_slice %get3A_415 {offsets = [0], sizes = [1], strides = [1]} : vector<16xf32> to vector<1xf32>
        %squeeze3A_434 = vector.extract %slice3A_433[0] : f32 from vector<1xf32>
        %broadcast_in_dim3A_435 = vector.broadcast %squeeze3A_434 : f32 to vector<16xf32>
        %select_n3A_436 = arith.select %eq3A_432, %broadcast_in_dim3A_435, %select_n3A_409 : vector<16xi1>, vector<16xf32>
        %get3A_437 = arith.constant 0 : i32
        %get3A_438 = arith.index_cast %get3A_437 : i32 to index
        %get3A_439 = arith.index_cast %scan3A_252 : i32 to index
        %get3A_440 = arith.constant 112 : index
        %get3A_441 = tpu.vector_load %arg12[%get3A_438, %get3A_439, %get3A_440] {strides = array<i32>} : memref<2x40x128xf32, #tpu.memory_space<vmem>>, vector<1x1x16xf32>,
        %get3A_442 = vector.shape_cast %get3A_441 : vector<1x1x16xf32> to vector<16xf32>
        %get3A_443 = arith.constant 0 : i32
        %get3A_444 = arith.index_cast %get3A_443 : i32 to index
        %get3A_445 = arith.index_cast %scan3A_252 : i32 to index
        %get3A_446 = arith.constant 112 : index
        %get3A_447 = tpu.vector_load %arg11[%get3A_444, %get3A_445, %get3A_446] {strides = array<i32>} : memref<2x40x128xf32, #tpu.memory_space<vmem>>, vector<1x1x16xf32>,
        %get3A_448 = vector.shape_cast %get3A_447 : vector<1x1x16xf32> to vector<16xf32>
        %mul3A_449 = arith.mulf %get3A_448, %get3A_442 : vector<16xf32>
        %swap3A_450 = arith.constant 0 : i32
        %swap3A_451 = arith.index_cast %swap3A_450 : i32 to index
        %swap3A_452 = arith.index_cast %scan3A_252 : i32 to index
        %swap3A_453 = arith.constant 112 : index
        %swap3A_454 = tpu.vector_load %arg14[%swap3A_451, %swap3A_452, %swap3A_453] {strides = array<i32>} : memref<2x40x128xf32, #tpu.memory_space<vmem>>, vector<1x1x16xf32>,
        %swap3A_455 = vector.shape_cast %swap3A_454 : vector<1x1x16xf32> to vector<16xf32>
        %swap3A_456 = vector.shape_cast %mul3A_449 : vector<16xf32> to vector<1x1x16xf32>
        tpu.vector_store %arg14[%swap3A_451, %swap3A_452, %swap3A_453], %swap3A_456 {strides = array<i32>} : memref<2x40x128xf32, #tpu.memory_space<vmem>>, vector<1x1x16xf32>,
        %eq3A_457 = arith.constant 7 : i32
        %eq3A_458 = vector.broadcast %eq3A_457 : i32 to vector<16xi32>
        %eq3A_459 = arith.cmpi eq, %iota3A, %eq3A_458 : vector<16xi32>
        %slice3A_460 = vector.extract_strided_slice %get3A_442 {offsets = [0], sizes = [1], strides = [1]} : vector<16xf32> to vector<1xf32>
        %squeeze3A_461 = vector.extract %slice3A_460[0] : f32 from vector<1xf32>
        %broadcast_in_dim3A_462 = vector.broadcast %squeeze3A_461 : f32 to vector<16xf32>
        %select_n3A_463 = arith.select %eq3A_459, %broadcast_in_dim3A_462, %select_n3A_436 : vector<16xi1>, vector<16xf32>
        %swap3A_464 = arith.constant 0 : i32
        %swap3A_465 = arith.index_cast %swap3A_464 : i32 to index
        %swap3A_466 = arith.index_cast %scan3A_252 : i32 to index
        %swap3A_467 = arith.constant 0 : index
        %swap3A_468 = tpu.vector_load %arg15[%swap3A_465, %swap3A_466, %swap3A_467] {strides = array<i32>} : memref<2x40x16xf32, #tpu.memory_space<vmem>>, vector<1x1x16xf32>,
        %swap3A_469 = vector.shape_cast %swap3A_468 : vector<1x1x16xf32> to vector<16xf32>
        %swap3A_470 = vector.shape_cast %select_n3A_463 : vector<16xf32> to vector<1x1x16xf32>
        tpu.vector_store %arg15[%swap3A_465, %swap3A_466, %swap3A_467], %swap3A_470 {strides = array<i32>} : memref<2x40x16xf32, #tpu.memory_space<vmem>>, vector<1x1x16xf32>,
      }
      %scan3A_170 = arith.constant 40 : i32
      %run_scoped3A = arith.constant 0 : i32
      %run_scoped3A_171 = arith.constant 0 : i32
      "tpu.region"() ({
        %run_scoped3A_252 = tpu.sem_alloc : memref<!tpu.dma_semaphore, #tpu.memory_space<semaphore_mem>>
        %dma_start3A_253 = arith.constant 0 : i32
        %dma_start3A_254 = arith.constant 0 : i32
        %dma_start3A_255 = tpu.memref_slice %arg14[%run_scoped3A, %dma_start3A_253, %dma_start3A_254] : memref<2x40x128xf32, #tpu.memory_space<vmem>> -> memref<1x40x128xf32, #tpu.memory_space<vmem>>
        %dma_start3A_256 = tpu.memref_squeeze %dma_start3A_255 : memref<1x40x128xf32, #tpu.memory_space<vmem>> -> memref<40x128xf32, #tpu.memory_space<vmem>>
        %dma_start3A_257 = arith.constant 0 : i32
        %dma_start3A_258 = tpu.memref_slice %arg13[%run_scoped3A_171, %dma_start3A_257] : memref<2x40xi32, #tpu.memory_space<vmem>> -> memref<1x40xi32, #tpu.memory_space<vmem>>
        %dma_start3A_259 = tpu.memref_squeeze %dma_start3A_258 : memref<1x40xi32, #tpu.memory_space<vmem>> -> memref<40xi32, #tpu.memory_space<vmem>>
        %dma_start3A_260 = arith.constant 0 : i32
        %dma_start3A_261 = arith.constant 0 : i32
        %dma_start3A_262 = tpu.memref_slice %arg9[%dma_start3A_260, %dma_start3A_261] : memref<10240x128xf32, #tpu.memory_space<vmem_shared>> -> memref<10240x128xf32, #tpu.memory_space<vmem_shared>>
        tpu.enqueue_indirect_dma source(%dma_start3A_256 : memref<40x128xf32, #tpu.memory_space<vmem>>) target(%dma_start3A_262 : memref<10240x128xf32, #tpu.memory_space<vmem_shared>>) offsets(%dma_start3A_259 : memref<40xi32, #tpu.memory_space<vmem>>) semaphore(%run_scoped3A_252 : memref<!tpu.dma_semaphore, #tpu.memory_space<semaphore_mem>>) {add = true}
        %dma_wait3A_263 = arith.constant 0 : i32
        %dma_wait3A_264 = arith.constant 0 : i32
        %dma_wait3A_265 = tpu.memref_slice %arg14[%run_scoped3A, %dma_wait3A_263, %dma_wait3A_264] : memref<2x40x128xf32, #tpu.memory_space<vmem>> -> memref<1x40x128xf32, #tpu.memory_space<vmem>>
        %dma_wait3A_266 = tpu.memref_squeeze %dma_wait3A_265 : memref<1x40x128xf32, #tpu.memory_space<vmem>> -> memref<40x128xf32, #tpu.memory_space<vmem>>
        %dma_wait3A_267 = arith.constant 0 : i32
        %dma_wait3A_268 = tpu.memref_slice %arg13[%run_scoped3A_171, %dma_wait3A_267] : memref<2x40xi32, #tpu.memory_space<vmem>> -> memref<1x40xi32, #tpu.memory_space<vmem>>
        %dma_wait3A_269 = tpu.memref_squeeze %dma_wait3A_268 : memref<1x40xi32, #tpu.memory_space<vmem>> -> memref<40xi32, #tpu.memory_space<vmem>>
        %dma_wait3A_270 = arith.constant 0 : i32
        %dma_wait3A_271 = arith.constant 0 : i32
        %dma_wait3A_272 = tpu.memref_slice %arg9[%dma_wait3A_270, %dma_wait3A_271] : memref<10240x128xf32, #tpu.memory_space<vmem_shared>> -> memref<10240x128xf32, #tpu.memory_space<vmem_shared>>
        tpu.wait_indirect_dma semaphore(%run_scoped3A_252 : memref<!tpu.dma_semaphore, #tpu.memory_space<semaphore_mem>>) src(%dma_wait3A_266 : memref<40x128xf32, #tpu.memory_space<vmem>>) dst(%dma_wait3A_272 : memref<10240x128xf32, #tpu.memory_space<vmem_shared>>)
        tpu.yield
      }) : () -> ()
      %run_scoped3A_172 = arith.constant 0 : i32
      %run_scoped3A_173 = arith.constant 0 : i32
      "tpu.region"() ({
        %run_scoped3A_252 = tpu.sem_alloc : memref<!tpu.dma_semaphore, #tpu.memory_space<semaphore_mem>>
        %dma_start3A_253 = arith.constant 0 : i32
        %dma_start3A_254 = arith.constant 0 : i32
        %dma_start3A_255 = tpu.memref_slice %arg15[%run_scoped3A_172, %dma_start3A_253, %dma_start3A_254] : memref<2x40x16xf32, #tpu.memory_space<vmem>> -> memref<1x40x16xf32, #tpu.memory_space<vmem>>
        %dma_start3A_256 = tpu.memref_squeeze %dma_start3A_255 : memref<1x40x16xf32, #tpu.memory_space<vmem>> -> memref<40x16xf32, #tpu.memory_space<vmem>>
        %dma_start3A_257 = arith.constant 0 : i32
        %dma_start3A_258 = tpu.memref_slice %arg13[%run_scoped3A_173, %dma_start3A_257] : memref<2x40xi32, #tpu.memory_space<vmem>> -> memref<1x40xi32, #tpu.memory_space<vmem>>
        %dma_start3A_259 = tpu.memref_squeeze %dma_start3A_258 : memref<1x40xi32, #tpu.memory_space<vmem>> -> memref<40xi32, #tpu.memory_space<vmem>>
        %dma_start3A_260 = arith.constant 0 : i32
        %dma_start3A_261 = arith.constant 0 : i32
        %dma_start3A_262 = tpu.memref_slice %arg10[%dma_start3A_260, %dma_start3A_261] : memref<10240x16xf32, #tpu.memory_space<vmem_shared>> -> memref<10240x16xf32, #tpu.memory_space<vmem_shared>>
        tpu.enqueue_indirect_dma source(%dma_start3A_256 : memref<40x16xf32, #tpu.memory_space<vmem>>) target(%dma_start3A_262 : memref<10240x16xf32, #tpu.memory_space<vmem_shared>>) offsets(%dma_start3A_259 : memref<40xi32, #tpu.memory_space<vmem>>) semaphore(%run_scoped3A_252 : memref<!tpu.dma_semaphore, #tpu.memory_space<semaphore_mem>>) {add = true}
        %dma_wait3A_263 = arith.constant 0 : i32
        %dma_wait3A_264 = arith.constant 0 : i32
        %dma_wait3A_265 = tpu.memref_slice %arg15[%run_scoped3A_172, %dma_wait3A_263, %dma_wait3A_264] : memref<2x40x16xf32, #tpu.memory_space<vmem>> -> memref<1x40x16xf32, #tpu.memory_space<vmem>>
        %dma_wait3A_266 = tpu.memref_squeeze %dma_wait3A_265 : memref<1x40x16xf32, #tpu.memory_space<vmem>> -> memref<40x16xf32, #tpu.memory_space<vmem>>
        %dma_wait3A_267 = arith.constant 0 : i32
        %dma_wait3A_268 = tpu.memref_slice %arg13[%run_scoped3A_173, %dma_wait3A_267] : memref<2x40xi32, #tpu.memory_space<vmem>> -> memref<1x40xi32, #tpu.memory_space<vmem>>
        %dma_wait3A_269 = tpu.memref_squeeze %dma_wait3A_268 : memref<1x40xi32, #tpu.memory_space<vmem>> -> memref<40xi32, #tpu.memory_space<vmem>>
        %dma_wait3A_270 = arith.constant 0 : i32
        %dma_wait3A_271 = arith.constant 0 : i32
        %dma_wait3A_272 = tpu.memref_slice %arg10[%dma_wait3A_270, %dma_wait3A_271] : memref<10240x16xf32, #tpu.memory_space<vmem_shared>> -> memref<10240x16xf32, #tpu.memory_space<vmem_shared>>
        tpu.wait_indirect_dma semaphore(%run_scoped3A_252 : memref<!tpu.dma_semaphore, #tpu.memory_space<semaphore_mem>>) src(%dma_wait3A_266 : memref<40x16xf32, #tpu.memory_space<vmem>>) dst(%dma_wait3A_272 : memref<10240x16xf32, #tpu.memory_space<vmem_shared>>)
        tpu.yield
      }) : () -> ()
      %add3A_174 = arith.constant 2 : i32
      %add3A_175 = arith.addi %add3A_112, %add3A_174 : i32
      %lt3A = arith.constant 250 : i32
      %lt3A_176 = arith.cmpi slt, %add3A_175, %lt3A : i32
      %convert_element_type3A = arith.extui %lt3A_176 : i1 to i32
      %cond3A = arith.constant 0 : i32
      %cond3A_177 = arith.cmpi ne, %convert_element_type3A, %cond3A : i32
      scf.if %cond3A_177 {
        %add3A_252 = arith.constant 2 : i32
        %add3A_253 = arith.addi %add3A_112, %add3A_252 : i32
        %mul3A_254 = arith.constant 40 : i32
        %mul3A_255 = arith.muli %add3A_253, %mul3A_254 : i32
        %add3A_256 = arith.addi %add3A, %mul3A_255 : i32
        %dma_start3A_257 = arith.constant 0 : i32
        %dma_start3A_258 = arith.constant 0 : i32
        %dma_start3A_259 = arith.constant 0 : i32
        %dma_start3A_260 = arith.constant 0 : i32
        %dma_start3A_261 = tpu.memref_slice %arg11[%dma_start3A_257, %dma_start3A_259, %dma_start3A_260] : memref<2x40x128xf32, #tpu.memory_space<vmem>> -> memref<1x40x128xf32, #tpu.memory_space<vmem>>
        %dma_start3A_262 = tpu.memref_squeeze %dma_start3A_261 : memref<1x40x128xf32, #tpu.memory_space<vmem>> -> memref<40x128xf32, #tpu.memory_space<vmem>>
        %dma_start3A_263 = arith.constant 0 : i32
        %dma_start3A_264 = tpu.memref_slice %arg2[%add3A_256, %dma_start3A_263] : memref<320000x128xf32, #tpu.memory_space<hbm>> -> memref<40x128xf32, #tpu.memory_space<hbm>>
        %dma_start3A_265 = tpu.memref_slice %arg16[%dma_start3A_258] : memref<2x!tpu.dma_semaphore, #tpu.memory_space<semaphore_mem>> -> memref<1x!tpu.dma_semaphore, #tpu.memory_space<semaphore_mem>>
        %dma_start3A_266 = tpu.memref_squeeze %dma_start3A_265 : memref<1x!tpu.dma_semaphore, #tpu.memory_space<semaphore_mem>> -> memref<!tpu.dma_semaphore, #tpu.memory_space<semaphore_mem>>
        %dma_start3A_267 = arith.constant 0 : i32
        %dma_start3A_268 = arith.constant 0 : i32
        %dma_start3A_269 = tpu.memref_slice %arg11[%dma_start3A_257, %dma_start3A_267, %dma_start3A_268] : memref<2x40x128xf32, #tpu.memory_space<vmem>> -> memref<1x40x128xf32, #tpu.memory_space<vmem>>
        %dma_start3A_270 = tpu.memref_squeeze %dma_start3A_269 : memref<1x40x128xf32, #tpu.memory_space<vmem>> -> memref<40x128xf32, #tpu.memory_space<vmem>>
        %dma_start3A_271 = arith.constant 0 : i32
        %dma_start3A_272 = tpu.memref_slice %arg2[%add3A_256, %dma_start3A_271] : memref<320000x128xf32, #tpu.memory_space<hbm>> -> memref<40x128xf32, #tpu.memory_space<hbm>>
        tpu.enqueue_dma source(%dma_start3A_272 : memref<40x128xf32, #tpu.memory_space<hbm>>) target(%dma_start3A_270 : memref<40x128xf32, #tpu.memory_space<vmem>>) target_semaphore(%dma_start3A_266 : memref<!tpu.dma_semaphore, #tpu.memory_space<semaphore_mem>>)
        %dma_start3A_273 = arith.constant 0 : i32
        %dma_start3A_274 = arith.constant 0 : i32
        %dma_start3A_275 = arith.constant 0 : i32
        %dma_start3A_276 = arith.constant 0 : i32
        %dma_start3A_277 = tpu.memref_slice %arg12[%dma_start3A_273, %dma_start3A_275, %dma_start3A_276] : memref<2x40x128xf32, #tpu.memory_space<vmem>> -> memref<1x40x128xf32, #tpu.memory_space<vmem>>
        %dma_start3A_278 = tpu.memref_squeeze %dma_start3A_277 : memref<1x40x128xf32, #tpu.memory_space<vmem>> -> memref<40x128xf32, #tpu.memory_space<vmem>>
        %dma_start3A_279 = arith.constant 0 : i32
        %dma_start3A_280 = tpu.memref_slice %arg3[%add3A_256, %dma_start3A_279] : memref<320000x128xf32, #tpu.memory_space<hbm>> -> memref<40x128xf32, #tpu.memory_space<hbm>>
        %dma_start3A_281 = tpu.memref_slice %arg16[%dma_start3A_274] : memref<2x!tpu.dma_semaphore, #tpu.memory_space<semaphore_mem>> -> memref<1x!tpu.dma_semaphore, #tpu.memory_space<semaphore_mem>>
        %dma_start3A_282 = tpu.memref_squeeze %dma_start3A_281 : memref<1x!tpu.dma_semaphore, #tpu.memory_space<semaphore_mem>> -> memref<!tpu.dma_semaphore, #tpu.memory_space<semaphore_mem>>
        %dma_start3A_283 = arith.constant 0 : i32
        %dma_start3A_284 = arith.constant 0 : i32
        %dma_start3A_285 = tpu.memref_slice %arg12[%dma_start3A_273, %dma_start3A_283, %dma_start3A_284] : memref<2x40x128xf32, #tpu.memory_space<vmem>> -> memref<1x40x128xf32, #tpu.memory_space<vmem>>
        %dma_start3A_286 = tpu.memref_squeeze %dma_start3A_285 : memref<1x40x128xf32, #tpu.memory_space<vmem>> -> memref<40x128xf32, #tpu.memory_space<vmem>>
        %dma_start3A_287 = arith.constant 0 : i32
        %dma_start3A_288 = tpu.memref_slice %arg3[%add3A_256, %dma_start3A_287] : memref<320000x128xf32, #tpu.memory_space<hbm>> -> memref<40x128xf32, #tpu.memory_space<hbm>>
        tpu.enqueue_dma source(%dma_start3A_288 : memref<40x128xf32, #tpu.memory_space<hbm>>) target(%dma_start3A_286 : memref<40x128xf32, #tpu.memory_space<vmem>>) target_semaphore(%dma_start3A_282 : memref<!tpu.dma_semaphore, #tpu.memory_space<semaphore_mem>>)
        %dma_start3A_289 = arith.constant 1 : i32
        %dma_start3A_290 = arith.constant 0 : i32
        %dma_start3A_291 = arith.constant 0 : i32
        %dma_start3A_292 = arith.constant 0 : i32
        %dma_start3A_293 = tpu.memref_slice %arg13[%dma_start3A_290, %dma_start3A_292] : memref<2x40xi32, #tpu.memory_space<vmem>> -> memref<1x40xi32, #tpu.memory_space<vmem>>
        %dma_start3A_294 = tpu.memref_squeeze %dma_start3A_293 : memref<1x40xi32, #tpu.memory_space<vmem>> -> memref<40xi32, #tpu.memory_space<vmem>>
        %dma_start3A_295 = tpu.memref_slice %arg4[%dma_start3A_289, %add3A_256] : memref<2x320000xi32, #tpu.memory_space<hbm>> -> memref<1x40xi32, #tpu.memory_space<hbm>>
        %dma_start3A_296 = tpu.memref_squeeze %dma_start3A_295 : memref<1x40xi32, #tpu.memory_space<hbm>> -> memref<40xi32, #tpu.memory_space<hbm>>
        %dma_start3A_297 = tpu.memref_slice %arg16[%dma_start3A_291] : memref<2x!tpu.dma_semaphore, #tpu.memory_space<semaphore_mem>> -> memref<1x!tpu.dma_semaphore, #tpu.memory_space<semaphore_mem>>
        %dma_start3A_298 = tpu.memref_squeeze %dma_start3A_297 : memref<1x!tpu.dma_semaphore, #tpu.memory_space<semaphore_mem>> -> memref<!tpu.dma_semaphore, #tpu.memory_space<semaphore_mem>>
        %dma_start3A_299 = arith.constant 0 : i32
        %dma_start3A_300 = tpu.memref_slice %arg13[%dma_start3A_290, %dma_start3A_299] : memref<2x40xi32, #tpu.memory_space<vmem>> -> memref<1x40xi32, #tpu.memory_space<vmem>>
        %dma_start3A_301 = tpu.memref_squeeze %dma_start3A_300 : memref<1x40xi32, #tpu.memory_space<vmem>> -> memref<40xi32, #tpu.memory_space<vmem>>
        %dma_start3A_302 = tpu.memref_slice %arg4[%dma_start3A_289, %add3A_256] : memref<2x320000xi32, #tpu.memory_space<hbm>> -> memref<1x40xi32, #tpu.memory_space<hbm>>
        %dma_start3A_303 = tpu.memref_squeeze %dma_start3A_302 : memref<1x40xi32, #tpu.memory_space<hbm>> -> memref<40xi32, #tpu.memory_space<hbm>>
        tpu.enqueue_dma source(%dma_start3A_303 : memref<40xi32, #tpu.memory_space<hbm>>) target(%dma_start3A_301 : memref<40xi32, #tpu.memory_space<vmem>>) target_semaphore(%dma_start3A_298 : memref<!tpu.dma_semaphore, #tpu.memory_space<semaphore_mem>>)
      } else {
      }
      %mul3A_178 = arith.constant 2 : i32
      %mul3A_179 = arith.muli %mul3A_178, %scan3A_108 : i32
      %add3A_180 = arith.constant 1 : i32
      %add3A_181 = arith.addi %mul3A_179, %add3A_180 : i32
      %dma_wait3A_182 = arith.constant 1 : i32
      %dma_wait3A_183 = arith.constant 1 : i32
      %dma_wait3A_184 = arith.constant 0 : i32
      %dma_wait3A_185 = arith.constant 0 : i32
      %dma_wait3A_186 = tpu.memref_slice %arg11[%dma_wait3A_182, %dma_wait3A_184, %dma_wait3A_185] : memref<2x40x128xf32, #tpu.memory_space<vmem>> -> memref<1x40x128xf32, #tpu.memory_space<vmem>>
      %dma_wait3A_187 = tpu.memref_squeeze %dma_wait3A_186 : memref<1x40x128xf32, #tpu.memory_space<vmem>> -> memref<40x128xf32, #tpu.memory_space<vmem>>
      %dma_wait3A_188 = arith.constant 0 : i32
      %dma_wait3A_189 = arith.constant 0 : i32
      %dma_wait3A_190 = tpu.memref_slice %arg2[%dma_wait3A_188, %dma_wait3A_189] : memref<320000x128xf32, #tpu.memory_space<hbm>> -> memref<40x128xf32, #tpu.memory_space<hbm>>
      %dma_wait3A_191 = tpu.memref_slice %arg16[%dma_wait3A_183] : memref<2x!tpu.dma_semaphore, #tpu.memory_space<semaphore_mem>> -> memref<1x!tpu.dma_semaphore, #tpu.memory_space<semaphore_mem>>
      %dma_wait3A_192 = tpu.memref_squeeze %dma_wait3A_191 : memref<1x!tpu.dma_semaphore, #tpu.memory_space<semaphore_mem>> -> memref<!tpu.dma_semaphore, #tpu.memory_space<semaphore_mem>>
      %dma_wait3A_193 = arith.constant 0 : i32
      %dma_wait3A_194 = arith.constant 0 : i32
      %dma_wait3A_195 = tpu.memref_slice %arg11[%dma_wait3A_182, %dma_wait3A_193, %dma_wait3A_194] : memref<2x40x128xf32, #tpu.memory_space<vmem>> -> memref<1x40x128xf32, #tpu.memory_space<vmem>>
      %dma_wait3A_196 = tpu.memref_squeeze %dma_wait3A_195 : memref<1x40x128xf32, #tpu.memory_space<vmem>> -> memref<40x128xf32, #tpu.memory_space<vmem>>
      %dma_wait3A_197 = arith.constant 0 : i32
      %dma_wait3A_198 = arith.constant 0 : i32
      %dma_wait3A_199 = tpu.memref_slice %arg2[%dma_wait3A_197, %dma_wait3A_198] : memref<320000x128xf32, #tpu.memory_space<hbm>> -> memref<40x128xf32, #tpu.memory_space<hbm>>
      tpu.wait_dma2 semaphore(%dma_wait3A_192 : memref<!tpu.dma_semaphore, #tpu.memory_space<semaphore_mem>>) src(%dma_wait3A_199 : memref<40x128xf32, #tpu.memory_space<hbm>>) dst(%dma_wait3A_196 : memref<40x128xf32, #tpu.memory_space<vmem>>)
      %dma_wait3A_200 = arith.constant 1 : i32
      %dma_wait3A_201 = arith.constant 1 : i32
      %dma_wait3A_202 = arith.constant 0 : i32
      %dma_wait3A_203 = arith.constant 0 : i32
      %dma_wait3A_204 = tpu.memref_slice %arg12[%dma_wait3A_200, %dma_wait3A_202, %dma_wait3A_203] : memref<2x40x128xf32, #tpu.memory_space<vmem>> -> memref<1x40x128xf32, #tpu.memory_space<vmem>>
      %dma_wait3A_205 = tpu.memref_squeeze %dma_wait3A_204 : memref<1x40x128xf32, #tpu.memory_space<vmem>> -> memref<40x128xf32, #tpu.memory_space<vmem>>
      %dma_wait3A_206 = arith.constant 0 : i32
      %dma_wait3A_207 = arith.constant 0 : i32
      %dma_wait3A_208 = tpu.memref_slice %arg3[%dma_wait3A_206, %dma_wait3A_207] : memref<320000x128xf32, #tpu.memory_space<hbm>> -> memref<40x128xf32, #tpu.memory_space<hbm>>
      %dma_wait3A_209 = tpu.memref_slice %arg16[%dma_wait3A_201] : memref<2x!tpu.dma_semaphore, #tpu.memory_space<semaphore_mem>> -> memref<1x!tpu.dma_semaphore, #tpu.memory_space<semaphore_mem>>
      %dma_wait3A_210 = tpu.memref_squeeze %dma_wait3A_209 : memref<1x!tpu.dma_semaphore, #tpu.memory_space<semaphore_mem>> -> memref<!tpu.dma_semaphore, #tpu.memory_space<semaphore_mem>>
      %dma_wait3A_211 = arith.constant 0 : i32
      %dma_wait3A_212 = arith.constant 0 : i32
      %dma_wait3A_213 = tpu.memref_slice %arg12[%dma_wait3A_200, %dma_wait3A_211, %dma_wait3A_212] : memref<2x40x128xf32, #tpu.memory_space<vmem>> -> memref<1x40x128xf32, #tpu.memory_space<vmem>>
      %dma_wait3A_214 = tpu.memref_squeeze %dma_wait3A_213 : memref<1x40x128xf32, #tpu.memory_space<vmem>> -> memref<40x128xf32, #tpu.memory_space<vmem>>
      %dma_wait3A_215 = arith.constant 0 : i32
      %dma_wait3A_216 = arith.constant 0 : i32
      %dma_wait3A_217 = tpu.memref_slice %arg3[%dma_wait3A_215, %dma_wait3A_216] : memref<320000x128xf32, #tpu.memory_space<hbm>> -> memref<40x128xf32, #tpu.memory_space<hbm>>
      tpu.wait_dma2 semaphore(%dma_wait3A_210 : memref<!tpu.dma_semaphore, #tpu.memory_space<semaphore_mem>>) src(%dma_wait3A_217 : memref<40x128xf32, #tpu.memory_space<hbm>>) dst(%dma_wait3A_214 : memref<40x128xf32, #tpu.memory_space<vmem>>)
      %dma_wait3A_218 = arith.constant 1 : i32
      %dma_wait3A_219 = arith.constant 1 : i32
      %dma_wait3A_220 = arith.constant 1 : i32
      %dma_wait3A_221 = arith.constant 0 : i32
      %dma_wait3A_222 = tpu.memref_slice %arg13[%dma_wait3A_219, %dma_wait3A_221] : memref<2x40xi32, #tpu.memory_space<vmem>> -> memref<1x40xi32, #tpu.memory_space<vmem>>
      %dma_wait3A_223 = tpu.memref_squeeze %dma_wait3A_222 : memref<1x40xi32, #tpu.memory_space<vmem>> -> memref<40xi32, #tpu.memory_space<vmem>>
      %dma_wait3A_224 = arith.constant 0 : i32
      %dma_wait3A_225 = tpu.memref_slice %arg4[%dma_wait3A_218, %dma_wait3A_224] : memref<2x320000xi32, #tpu.memory_space<hbm>> -> memref<1x40xi32, #tpu.memory_space<hbm>>
      %dma_wait3A_226 = tpu.memref_squeeze %dma_wait3A_225 : memref<1x40xi32, #tpu.memory_space<hbm>> -> memref<40xi32, #tpu.memory_space<hbm>>
      %dma_wait3A_227 = tpu.memref_slice %arg16[%dma_wait3A_220] : memref<2x!tpu.dma_semaphore, #tpu.memory_space<semaphore_mem>> -> memref<1x!tpu.dma_semaphore, #tpu.memory_space<semaphore_mem>>
      %dma_wait3A_228 = tpu.memref_squeeze %dma_wait3A_227 : memref<1x!tpu.dma_semaphore, #tpu.memory_space<semaphore_mem>> -> memref<!tpu.dma_semaphore, #tpu.memory_space<semaphore_mem>>
      %dma_wait3A_229 = arith.constant 0 : i32
      %dma_wait3A_230 = tpu.memref_slice %arg13[%dma_wait3A_219, %dma_wait3A_229] : memref<2x40xi32, #tpu.memory_space<vmem>> -> memref<1x40xi32, #tpu.memory_space<vmem>>
      %dma_wait3A_231 = tpu.memref_squeeze %dma_wait3A_230 : memref<1x40xi32, #tpu.memory_space<vmem>> -> memref<40xi32, #tpu.memory_space<vmem>>
      %dma_wait3A_232 = arith.constant 0 : i32
      %dma_wait3A_233 = tpu.memref_slice %arg4[%dma_wait3A_218, %dma_wait3A_232] : memref<2x320000xi32, #tpu.memory_space<hbm>> -> memref<1x40xi32, #tpu.memory_space<hbm>>
      %dma_wait3A_234 = tpu.memref_squeeze %dma_wait3A_233 : memref<1x40xi32, #tpu.memory_space<hbm>> -> memref<40xi32, #tpu.memory_space<hbm>>
      tpu.wait_dma2 semaphore(%dma_wait3A_228 : memref<!tpu.dma_semaphore, #tpu.memory_space<semaphore_mem>>) src(%dma_wait3A_234 : memref<40xi32, #tpu.memory_space<hbm>>) dst(%dma_wait3A_231 : memref<40xi32, #tpu.memory_space<vmem>>)
      %scan3A_235 = arith.constant 0 : i32
      %scan3A_236 = arith.constant 0 : i32
      %scan3A_237 = arith.constant 40 : i32
      %scan3A_238 = arith.addi %scan3A_236, %scan3A_237 : i32
      %scan3A_239 = arith.constant 1 : i32
      scf.for %scan3A_252 = %scan3A_236 to %scan3A_238 step %scan3A_239  : i32 {
        %broadcast_in_dim3A = arith.constant 0.000000e+00 : f32
        %broadcast_in_dim3A_253 = vector.broadcast %broadcast_in_dim3A : f32 to vector<16xf32>
        %get3A = arith.constant 1 : i32
        %get3A_254 = arith.index_cast %get3A : i32 to index
        %get3A_255 = arith.index_cast %scan3A_252 : i32 to index
        %get3A_256 = arith.constant 0 : index
        %get3A_257 = tpu.vector_load %arg12[%get3A_254, %get3A_255, %get3A_256] {strides = array<i32>} : memref<2x40x128xf32, #tpu.memory_space<vmem>>, vector<1x1x16xf32>,
        %get3A_258 = vector.shape_cast %get3A_257 : vector<1x1x16xf32> to vector<16xf32>
        %get3A_259 = arith.constant 1 : i32
        %get3A_260 = arith.index_cast %get3A_259 : i32 to index
        %get3A_261 = arith.index_cast %scan3A_252 : i32 to index
        %get3A_262 = arith.constant 0 : index
        %get3A_263 = tpu.vector_load %arg11[%get3A_260, %get3A_261, %get3A_262] {strides = array<i32>} : memref<2x40x128xf32, #tpu.memory_space<vmem>>, vector<1x1x16xf32>,
        %get3A_264 = vector.shape_cast %get3A_263 : vector<1x1x16xf32> to vector<16xf32>
        %mul3A_265 = arith.mulf %get3A_264, %get3A_258 : vector<16xf32>
        %swap3A = arith.constant 1 : i32
        %swap3A_266 = arith.index_cast %swap3A : i32 to index
        %swap3A_267 = arith.index_cast %scan3A_252 : i32 to index
        %swap3A_268 = arith.constant 0 : index
        %swap3A_269 = tpu.vector_load %arg14[%swap3A_266, %swap3A_267, %swap3A_268] {strides = array<i32>} : memref<2x40x128xf32, #tpu.memory_space<vmem>>, vector<1x1x16xf32>,
        %swap3A_270 = vector.shape_cast %swap3A_269 : vector<1x1x16xf32> to vector<16xf32>
        %swap3A_271 = vector.shape_cast %mul3A_265 : vector<16xf32> to vector<1x1x16xf32>
        tpu.vector_store %arg14[%swap3A_266, %swap3A_267, %swap3A_268], %swap3A_271 {strides = array<i32>} : memref<2x40x128xf32, #tpu.memory_space<vmem>>, vector<1x1x16xf32>,
        %eq3A = arith.constant 0 : i32
        %eq3A_272 = vector.broadcast %eq3A : i32 to vector<16xi32>
        %eq3A_273 = arith.cmpi eq, %iota3A, %eq3A_272 : vector<16xi32>
        %slice3A = vector.extract_strided_slice %get3A_258 {offsets = [0], sizes = [1], strides = [1]} : vector<16xf32> to vector<1xf32>
        %squeeze3A = vector.extract %slice3A[0] : f32 from vector<1xf32>
        %broadcast_in_dim3A_274 = vector.broadcast %squeeze3A : f32 to vector<16xf32>
        %select_n3A = arith.select %eq3A_273, %broadcast_in_dim3A_274, %broadcast_in_dim3A_253 : vector<16xi1>, vector<16xf32>
        %get3A_275 = arith.constant 1 : i32
        %get3A_276 = arith.index_cast %get3A_275 : i32 to index
        %get3A_277 = arith.index_cast %scan3A_252 : i32 to index
        %get3A_278 = arith.constant 16 : index
        %get3A_279 = tpu.vector_load %arg12[%get3A_276, %get3A_277, %get3A_278] {strides = array<i32>} : memref<2x40x128xf32, #tpu.memory_space<vmem>>, vector<1x1x16xf32>,
        %get3A_280 = vector.shape_cast %get3A_279 : vector<1x1x16xf32> to vector<16xf32>
        %get3A_281 = arith.constant 1 : i32
        %get3A_282 = arith.index_cast %get3A_281 : i32 to index
        %get3A_283 = arith.index_cast %scan3A_252 : i32 to index
        %get3A_284 = arith.constant 16 : index
        %get3A_285 = tpu.vector_load %arg11[%get3A_282, %get3A_283, %get3A_284] {strides = array<i32>} : memref<2x40x128xf32, #tpu.memory_space<vmem>>, vector<1x1x16xf32>,
        %get3A_286 = vector.shape_cast %get3A_285 : vector<1x1x16xf32> to vector<16xf32>
        %mul3A_287 = arith.mulf %get3A_286, %get3A_280 : vector<16xf32>
        %swap3A_288 = arith.constant 1 : i32
        %swap3A_289 = arith.index_cast %swap3A_288 : i32 to index
        %swap3A_290 = arith.index_cast %scan3A_252 : i32 to index
        %swap3A_291 = arith.constant 16 : index
        %swap3A_292 = tpu.vector_load %arg14[%swap3A_289, %swap3A_290, %swap3A_291] {strides = array<i32>} : memref<2x40x128xf32, #tpu.memory_space<vmem>>, vector<1x1x16xf32>,
        %swap3A_293 = vector.shape_cast %swap3A_292 : vector<1x1x16xf32> to vector<16xf32>
        %swap3A_294 = vector.shape_cast %mul3A_287 : vector<16xf32> to vector<1x1x16xf32>
        tpu.vector_store %arg14[%swap3A_289, %swap3A_290, %swap3A_291], %swap3A_294 {strides = array<i32>} : memref<2x40x128xf32, #tpu.memory_space<vmem>>, vector<1x1x16xf32>,
        %eq3A_295 = arith.constant 1 : i32
        %eq3A_296 = vector.broadcast %eq3A_295 : i32 to vector<16xi32>
        %eq3A_297 = arith.cmpi eq, %iota3A, %eq3A_296 : vector<16xi32>
        %slice3A_298 = vector.extract_strided_slice %get3A_280 {offsets = [0], sizes = [1], strides = [1]} : vector<16xf32> to vector<1xf32>
        %squeeze3A_299 = vector.extract %slice3A_298[0] : f32 from vector<1xf32>
        %broadcast_in_dim3A_300 = vector.broadcast %squeeze3A_299 : f32 to vector<16xf32>
        %select_n3A_301 = arith.select %eq3A_297, %broadcast_in_dim3A_300, %select_n3A : vector<16xi1>, vector<16xf32>
        %get3A_302 = arith.constant 1 : i32
        %get3A_303 = arith.index_cast %get3A_302 : i32 to index
        %get3A_304 = arith.index_cast %scan3A_252 : i32 to index
        %get3A_305 = arith.constant 32 : index
        %get3A_306 = tpu.vector_load %arg12[%get3A_303, %get3A_304, %get3A_305] {strides = array<i32>} : memref<2x40x128xf32, #tpu.memory_space<vmem>>, vector<1x1x16xf32>,
        %get3A_307 = vector.shape_cast %get3A_306 : vector<1x1x16xf32> to vector<16xf32>
        %get3A_308 = arith.constant 1 : i32
        %get3A_309 = arith.index_cast %get3A_308 : i32 to index
        %get3A_310 = arith.index_cast %scan3A_252 : i32 to index
        %get3A_311 = arith.constant 32 : index
        %get3A_312 = tpu.vector_load %arg11[%get3A_309, %get3A_310, %get3A_311] {strides = array<i32>} : memref<2x40x128xf32, #tpu.memory_space<vmem>>, vector<1x1x16xf32>,
        %get3A_313 = vector.shape_cast %get3A_312 : vector<1x1x16xf32> to vector<16xf32>
        %mul3A_314 = arith.mulf %get3A_313, %get3A_307 : vector<16xf32>
        %swap3A_315 = arith.constant 1 : i32
        %swap3A_316 = arith.index_cast %swap3A_315 : i32 to index
        %swap3A_317 = arith.index_cast %scan3A_252 : i32 to index
        %swap3A_318 = arith.constant 32 : index
        %swap3A_319 = tpu.vector_load %arg14[%swap3A_316, %swap3A_317, %swap3A_318] {strides = array<i32>} : memref<2x40x128xf32, #tpu.memory_space<vmem>>, vector<1x1x16xf32>,
        %swap3A_320 = vector.shape_cast %swap3A_319 : vector<1x1x16xf32> to vector<16xf32>
        %swap3A_321 = vector.shape_cast %mul3A_314 : vector<16xf32> to vector<1x1x16xf32>
        tpu.vector_store %arg14[%swap3A_316, %swap3A_317, %swap3A_318], %swap3A_321 {strides = array<i32>} : memref<2x40x128xf32, #tpu.memory_space<vmem>>, vector<1x1x16xf32>,
        %eq3A_322 = arith.constant 2 : i32
        %eq3A_323 = vector.broadcast %eq3A_322 : i32 to vector<16xi32>
        %eq3A_324 = arith.cmpi eq, %iota3A, %eq3A_323 : vector<16xi32>
        %slice3A_325 = vector.extract_strided_slice %get3A_307 {offsets = [0], sizes = [1], strides = [1]} : vector<16xf32> to vector<1xf32>
        %squeeze3A_326 = vector.extract %slice3A_325[0] : f32 from vector<1xf32>
        %broadcast_in_dim3A_327 = vector.broadcast %squeeze3A_326 : f32 to vector<16xf32>
        %select_n3A_328 = arith.select %eq3A_324, %broadcast_in_dim3A_327, %select_n3A_301 : vector<16xi1>, vector<16xf32>
        %get3A_329 = arith.constant 1 : i32
        %get3A_330 = arith.index_cast %get3A_329 : i32 to index
        %get3A_331 = arith.index_cast %scan3A_252 : i32 to index
        %get3A_332 = arith.constant 48 : index
        %get3A_333 = tpu.vector_load %arg12[%get3A_330, %get3A_331, %get3A_332] {strides = array<i32>} : memref<2x40x128xf32, #tpu.memory_space<vmem>>, vector<1x1x16xf32>,
        %get3A_334 = vector.shape_cast %get3A_333 : vector<1x1x16xf32> to vector<16xf32>
        %get3A_335 = arith.constant 1 : i32
        %get3A_336 = arith.index_cast %get3A_335 : i32 to index
        %get3A_337 = arith.index_cast %scan3A_252 : i32 to index
        %get3A_338 = arith.constant 48 : index
        %get3A_339 = tpu.vector_load %arg11[%get3A_336, %get3A_337, %get3A_338] {strides = array<i32>} : memref<2x40x128xf32, #tpu.memory_space<vmem>>, vector<1x1x16xf32>,
        %get3A_340 = vector.shape_cast %get3A_339 : vector<1x1x16xf32> to vector<16xf32>
        %mul3A_341 = arith.mulf %get3A_340, %get3A_334 : vector<16xf32>
        %swap3A_342 = arith.constant 1 : i32
        %swap3A_343 = arith.index_cast %swap3A_342 : i32 to index
        %swap3A_344 = arith.index_cast %scan3A_252 : i32 to index
        %swap3A_345 = arith.constant 48 : index
        %swap3A_346 = tpu.vector_load %arg14[%swap3A_343, %swap3A_344, %swap3A_345] {strides = array<i32>} : memref<2x40x128xf32, #tpu.memory_space<vmem>>, vector<1x1x16xf32>,
        %swap3A_347 = vector.shape_cast %swap3A_346 : vector<1x1x16xf32> to vector<16xf32>
        %swap3A_348 = vector.shape_cast %mul3A_341 : vector<16xf32> to vector<1x1x16xf32>
        tpu.vector_store %arg14[%swap3A_343, %swap3A_344, %swap3A_345], %swap3A_348 {strides = array<i32>} : memref<2x40x128xf32, #tpu.memory_space<vmem>>, vector<1x1x16xf32>,
        %eq3A_349 = arith.constant 3 : i32
        %eq3A_350 = vector.broadcast %eq3A_349 : i32 to vector<16xi32>
        %eq3A_351 = arith.cmpi eq, %iota3A, %eq3A_350 : vector<16xi32>
        %slice3A_352 = vector.extract_strided_slice %get3A_334 {offsets = [0], sizes = [1], strides = [1]} : vector<16xf32> to vector<1xf32>
        %squeeze3A_353 = vector.extract %slice3A_352[0] : f32 from vector<1xf32>
        %broadcast_in_dim3A_354 = vector.broadcast %squeeze3A_353 : f32 to vector<16xf32>
        %select_n3A_355 = arith.select %eq3A_351, %broadcast_in_dim3A_354, %select_n3A_328 : vector<16xi1>, vector<16xf32>
        %get3A_356 = arith.constant 1 : i32
        %get3A_357 = arith.index_cast %get3A_356 : i32 to index
        %get3A_358 = arith.index_cast %scan3A_252 : i32 to index
        %get3A_359 = arith.constant 64 : index
        %get3A_360 = tpu.vector_load %arg12[%get3A_357, %get3A_358, %get3A_359] {strides = array<i32>} : memref<2x40x128xf32, #tpu.memory_space<vmem>>, vector<1x1x16xf32>,
        %get3A_361 = vector.shape_cast %get3A_360 : vector<1x1x16xf32> to vector<16xf32>
        %get3A_362 = arith.constant 1 : i32
        %get3A_363 = arith.index_cast %get3A_362 : i32 to index
        %get3A_364 = arith.index_cast %scan3A_252 : i32 to index
        %get3A_365 = arith.constant 64 : index
        %get3A_366 = tpu.vector_load %arg11[%get3A_363, %get3A_364, %get3A_365] {strides = array<i32>} : memref<2x40x128xf32, #tpu.memory_space<vmem>>, vector<1x1x16xf32>,
        %get3A_367 = vector.shape_cast %get3A_366 : vector<1x1x16xf32> to vector<16xf32>
        %mul3A_368 = arith.mulf %get3A_367, %get3A_361 : vector<16xf32>
        %swap3A_369 = arith.constant 1 : i32
        %swap3A_370 = arith.index_cast %swap3A_369 : i32 to index
        %swap3A_371 = arith.index_cast %scan3A_252 : i32 to index
        %swap3A_372 = arith.constant 64 : index
        %swap3A_373 = tpu.vector_load %arg14[%swap3A_370, %swap3A_371, %swap3A_372] {strides = array<i32>} : memref<2x40x128xf32, #tpu.memory_space<vmem>>, vector<1x1x16xf32>,
        %swap3A_374 = vector.shape_cast %swap3A_373 : vector<1x1x16xf32> to vector<16xf32>
        %swap3A_375 = vector.shape_cast %mul3A_368 : vector<16xf32> to vector<1x1x16xf32>
        tpu.vector_store %arg14[%swap3A_370, %swap3A_371, %swap3A_372], %swap3A_375 {strides = array<i32>} : memref<2x40x128xf32, #tpu.memory_space<vmem>>, vector<1x1x16xf32>,
        %eq3A_376 = arith.constant 4 : i32
        %eq3A_377 = vector.broadcast %eq3A_376 : i32 to vector<16xi32>
        %eq3A_378 = arith.cmpi eq, %iota3A, %eq3A_377 : vector<16xi32>
        %slice3A_379 = vector.extract_strided_slice %get3A_361 {offsets = [0], sizes = [1], strides = [1]} : vector<16xf32> to vector<1xf32>
        %squeeze3A_380 = vector.extract %slice3A_379[0] : f32 from vector<1xf32>
        %broadcast_in_dim3A_381 = vector.broadcast %squeeze3A_380 : f32 to vector<16xf32>
        %select_n3A_382 = arith.select %eq3A_378, %broadcast_in_dim3A_381, %select_n3A_355 : vector<16xi1>, vector<16xf32>
        %get3A_383 = arith.constant 1 : i32
        %get3A_384 = arith.index_cast %get3A_383 : i32 to index
        %get3A_385 = arith.index_cast %scan3A_252 : i32 to index
        %get3A_386 = arith.constant 80 : index
        %get3A_387 = tpu.vector_load %arg12[%get3A_384, %get3A_385, %get3A_386] {strides = array<i32>} : memref<2x40x128xf32, #tpu.memory_space<vmem>>, vector<1x1x16xf32>,
        %get3A_388 = vector.shape_cast %get3A_387 : vector<1x1x16xf32> to vector<16xf32>
        %get3A_389 = arith.constant 1 : i32
        %get3A_390 = arith.index_cast %get3A_389 : i32 to index
        %get3A_391 = arith.index_cast %scan3A_252 : i32 to index
        %get3A_392 = arith.constant 80 : index
        %get3A_393 = tpu.vector_load %arg11[%get3A_390, %get3A_391, %get3A_392] {strides = array<i32>} : memref<2x40x128xf32, #tpu.memory_space<vmem>>, vector<1x1x16xf32>,
        %get3A_394 = vector.shape_cast %get3A_393 : vector<1x1x16xf32> to vector<16xf32>
        %mul3A_395 = arith.mulf %get3A_394, %get3A_388 : vector<16xf32>
        %swap3A_396 = arith.constant 1 : i32
        %swap3A_397 = arith.index_cast %swap3A_396 : i32 to index
        %swap3A_398 = arith.index_cast %scan3A_252 : i32 to index
        %swap3A_399 = arith.constant 80 : index
        %swap3A_400 = tpu.vector_load %arg14[%swap3A_397, %swap3A_398, %swap3A_399] {strides = array<i32>} : memref<2x40x128xf32, #tpu.memory_space<vmem>>, vector<1x1x16xf32>,
        %swap3A_401 = vector.shape_cast %swap3A_400 : vector<1x1x16xf32> to vector<16xf32>
        %swap3A_402 = vector.shape_cast %mul3A_395 : vector<16xf32> to vector<1x1x16xf32>
        tpu.vector_store %arg14[%swap3A_397, %swap3A_398, %swap3A_399], %swap3A_402 {strides = array<i32>} : memref<2x40x128xf32, #tpu.memory_space<vmem>>, vector<1x1x16xf32>,
        %eq3A_403 = arith.constant 5 : i32
        %eq3A_404 = vector.broadcast %eq3A_403 : i32 to vector<16xi32>
        %eq3A_405 = arith.cmpi eq, %iota3A, %eq3A_404 : vector<16xi32>
        %slice3A_406 = vector.extract_strided_slice %get3A_388 {offsets = [0], sizes = [1], strides = [1]} : vector<16xf32> to vector<1xf32>
        %squeeze3A_407 = vector.extract %slice3A_406[0] : f32 from vector<1xf32>
        %broadcast_in_dim3A_408 = vector.broadcast %squeeze3A_407 : f32 to vector<16xf32>
        %select_n3A_409 = arith.select %eq3A_405, %broadcast_in_dim3A_408, %select_n3A_382 : vector<16xi1>, vector<16xf32>
        %get3A_410 = arith.constant 1 : i32
        %get3A_411 = arith.index_cast %get3A_410 : i32 to index
        %get3A_412 = arith.index_cast %scan3A_252 : i32 to index
        %get3A_413 = arith.constant 96 : index
        %get3A_414 = tpu.vector_load %arg12[%get3A_411, %get3A_412, %get3A_413] {strides = array<i32>} : memref<2x40x128xf32, #tpu.memory_space<vmem>>, vector<1x1x16xf32>,
        %get3A_415 = vector.shape_cast %get3A_414 : vector<1x1x16xf32> to vector<16xf32>
        %get3A_416 = arith.constant 1 : i32
        %get3A_417 = arith.index_cast %get3A_416 : i32 to index
        %get3A_418 = arith.index_cast %scan3A_252 : i32 to index
        %get3A_419 = arith.constant 96 : index
        %get3A_420 = tpu.vector_load %arg11[%get3A_417, %get3A_418, %get3A_419] {strides = array<i32>} : memref<2x40x128xf32, #tpu.memory_space<vmem>>, vector<1x1x16xf32>,
        %get3A_421 = vector.shape_cast %get3A_420 : vector<1x1x16xf32> to vector<16xf32>
        %mul3A_422 = arith.mulf %get3A_421, %get3A_415 : vector<16xf32>
        %swap3A_423 = arith.constant 1 : i32
        %swap3A_424 = arith.index_cast %swap3A_423 : i32 to index
        %swap3A_425 = arith.index_cast %scan3A_252 : i32 to index
        %swap3A_426 = arith.constant 96 : index
        %swap3A_427 = tpu.vector_load %arg14[%swap3A_424, %swap3A_425, %swap3A_426] {strides = array<i32>} : memref<2x40x128xf32, #tpu.memory_space<vmem>>, vector<1x1x16xf32>,
        %swap3A_428 = vector.shape_cast %swap3A_427 : vector<1x1x16xf32> to vector<16xf32>
        %swap3A_429 = vector.shape_cast %mul3A_422 : vector<16xf32> to vector<1x1x16xf32>
        tpu.vector_store %arg14[%swap3A_424, %swap3A_425, %swap3A_426], %swap3A_429 {strides = array<i32>} : memref<2x40x128xf32, #tpu.memory_space<vmem>>, vector<1x1x16xf32>,
        %eq3A_430 = arith.constant 6 : i32
        %eq3A_431 = vector.broadcast %eq3A_430 : i32 to vector<16xi32>
        %eq3A_432 = arith.cmpi eq, %iota3A, %eq3A_431 : vector<16xi32>
        %slice3A_433 = vector.extract_strided_slice %get3A_415 {offsets = [0], sizes = [1], strides = [1]} : vector<16xf32> to vector<1xf32>
        %squeeze3A_434 = vector.extract %slice3A_433[0] : f32 from vector<1xf32>
        %broadcast_in_dim3A_435 = vector.broadcast %squeeze3A_434 : f32 to vector<16xf32>
        %select_n3A_436 = arith.select %eq3A_432, %broadcast_in_dim3A_435, %select_n3A_409 : vector<16xi1>, vector<16xf32>
        %get3A_437 = arith.constant 1 : i32
        %get3A_438 = arith.index_cast %get3A_437 : i32 to index
        %get3A_439 = arith.index_cast %scan3A_252 : i32 to index
        %get3A_440 = arith.constant 112 : index
        %get3A_441 = tpu.vector_load %arg12[%get3A_438, %get3A_439, %get3A_440] {strides = array<i32>} : memref<2x40x128xf32, #tpu.memory_space<vmem>>, vector<1x1x16xf32>,
        %get3A_442 = vector.shape_cast %get3A_441 : vector<1x1x16xf32> to vector<16xf32>
        %get3A_443 = arith.constant 1 : i32
        %get3A_444 = arith.index_cast %get3A_443 : i32 to index
        %get3A_445 = arith.index_cast %scan3A_252 : i32 to index
        %get3A_446 = arith.constant 112 : index
        %get3A_447 = tpu.vector_load %arg11[%get3A_444, %get3A_445, %get3A_446] {strides = array<i32>} : memref<2x40x128xf32, #tpu.memory_space<vmem>>, vector<1x1x16xf32>,
        %get3A_448 = vector.shape_cast %get3A_447 : vector<1x1x16xf32> to vector<16xf32>
        %mul3A_449 = arith.mulf %get3A_448, %get3A_442 : vector<16xf32>
        %swap3A_450 = arith.constant 1 : i32
        %swap3A_451 = arith.index_cast %swap3A_450 : i32 to index
        %swap3A_452 = arith.index_cast %scan3A_252 : i32 to index
        %swap3A_453 = arith.constant 112 : index
        %swap3A_454 = tpu.vector_load %arg14[%swap3A_451, %swap3A_452, %swap3A_453] {strides = array<i32>} : memref<2x40x128xf32, #tpu.memory_space<vmem>>, vector<1x1x16xf32>,
        %swap3A_455 = vector.shape_cast %swap3A_454 : vector<1x1x16xf32> to vector<16xf32>
        %swap3A_456 = vector.shape_cast %mul3A_449 : vector<16xf32> to vector<1x1x16xf32>
        tpu.vector_store %arg14[%swap3A_451, %swap3A_452, %swap3A_453], %swap3A_456 {strides = array<i32>} : memref<2x40x128xf32, #tpu.memory_space<vmem>>, vector<1x1x16xf32>,
        %eq3A_457 = arith.constant 7 : i32
        %eq3A_458 = vector.broadcast %eq3A_457 : i32 to vector<16xi32>
        %eq3A_459 = arith.cmpi eq, %iota3A, %eq3A_458 : vector<16xi32>
        %slice3A_460 = vector.extract_strided_slice %get3A_442 {offsets = [0], sizes = [1], strides = [1]} : vector<16xf32> to vector<1xf32>
        %squeeze3A_461 = vector.extract %slice3A_460[0] : f32 from vector<1xf32>
        %broadcast_in_dim3A_462 = vector.broadcast %squeeze3A_461 : f32 to vector<16xf32>
        %select_n3A_463 = arith.select %eq3A_459, %broadcast_in_dim3A_462, %select_n3A_436 : vector<16xi1>, vector<16xf32>
        %swap3A_464 = arith.constant 1 : i32
        %swap3A_465 = arith.index_cast %swap3A_464 : i32 to index
        %swap3A_466 = arith.index_cast %scan3A_252 : i32 to index
        %swap3A_467 = arith.constant 0 : index
        %swap3A_468 = tpu.vector_load %arg15[%swap3A_465, %swap3A_466, %swap3A_467] {strides = array<i32>} : memref<2x40x16xf32, #tpu.memory_space<vmem>>, vector<1x1x16xf32>,
        %swap3A_469 = vector.shape_cast %swap3A_468 : vector<1x1x16xf32> to vector<16xf32>
        %swap3A_470 = vector.shape_cast %select_n3A_463 : vector<16xf32> to vector<1x1x16xf32>
        tpu.vector_store %arg15[%swap3A_465, %swap3A_466, %swap3A_467], %swap3A_470 {strides = array<i32>} : memref<2x40x16xf32, #tpu.memory_space<vmem>>, vector<1x1x16xf32>,
      }
      %scan3A_240 = arith.constant 40 : i32
      %run_scoped3A_241 = arith.constant 1 : i32
      %run_scoped3A_242 = arith.constant 1 : i32
      "tpu.region"() ({
        %run_scoped3A_252 = tpu.sem_alloc : memref<!tpu.dma_semaphore, #tpu.memory_space<semaphore_mem>>
        %dma_start3A_253 = arith.constant 0 : i32
        %dma_start3A_254 = arith.constant 0 : i32
        %dma_start3A_255 = tpu.memref_slice %arg14[%run_scoped3A_241, %dma_start3A_253, %dma_start3A_254] : memref<2x40x128xf32, #tpu.memory_space<vmem>> -> memref<1x40x128xf32, #tpu.memory_space<vmem>>
        %dma_start3A_256 = tpu.memref_squeeze %dma_start3A_255 : memref<1x40x128xf32, #tpu.memory_space<vmem>> -> memref<40x128xf32, #tpu.memory_space<vmem>>
        %dma_start3A_257 = arith.constant 0 : i32
        %dma_start3A_258 = tpu.memref_slice %arg13[%run_scoped3A_242, %dma_start3A_257] : memref<2x40xi32, #tpu.memory_space<vmem>> -> memref<1x40xi32, #tpu.memory_space<vmem>>
        %dma_start3A_259 = tpu.memref_squeeze %dma_start3A_258 : memref<1x40xi32, #tpu.memory_space<vmem>> -> memref<40xi32, #tpu.memory_space<vmem>>
        %dma_start3A_260 = arith.constant 0 : i32
        %dma_start3A_261 = arith.constant 0 : i32
        %dma_start3A_262 = tpu.memref_slice %arg9[%dma_start3A_260, %dma_start3A_261] : memref<10240x128xf32, #tpu.memory_space<vmem_shared>> -> memref<10240x128xf32, #tpu.memory_space<vmem_shared>>
        tpu.enqueue_indirect_dma source(%dma_start3A_256 : memref<40x128xf32, #tpu.memory_space<vmem>>) target(%dma_start3A_262 : memref<10240x128xf32, #tpu.memory_space<vmem_shared>>) offsets(%dma_start3A_259 : memref<40xi32, #tpu.memory_space<vmem>>) semaphore(%run_scoped3A_252 : memref<!tpu.dma_semaphore, #tpu.memory_space<semaphore_mem>>) {add = true}
        %dma_wait3A_263 = arith.constant 0 : i32
        %dma_wait3A_264 = arith.constant 0 : i32
        %dma_wait3A_265 = tpu.memref_slice %arg14[%run_scoped3A_241, %dma_wait3A_263, %dma_wait3A_264] : memref<2x40x128xf32, #tpu.memory_space<vmem>> -> memref<1x40x128xf32, #tpu.memory_space<vmem>>
        %dma_wait3A_266 = tpu.memref_squeeze %dma_wait3A_265 : memref<1x40x128xf32, #tpu.memory_space<vmem>> -> memref<40x128xf32, #tpu.memory_space<vmem>>
        %dma_wait3A_267 = arith.constant 0 : i32
        %dma_wait3A_268 = tpu.memref_slice %arg13[%run_scoped3A_242, %dma_wait3A_267] : memref<2x40xi32, #tpu.memory_space<vmem>> -> memref<1x40xi32, #tpu.memory_space<vmem>>
        %dma_wait3A_269 = tpu.memref_squeeze %dma_wait3A_268 : memref<1x40xi32, #tpu.memory_space<vmem>> -> memref<40xi32, #tpu.memory_space<vmem>>
        %dma_wait3A_270 = arith.constant 0 : i32
        %dma_wait3A_271 = arith.constant 0 : i32
        %dma_wait3A_272 = tpu.memref_slice %arg9[%dma_wait3A_270, %dma_wait3A_271] : memref<10240x128xf32, #tpu.memory_space<vmem_shared>> -> memref<10240x128xf32, #tpu.memory_space<vmem_shared>>
        tpu.wait_indirect_dma semaphore(%run_scoped3A_252 : memref<!tpu.dma_semaphore, #tpu.memory_space<semaphore_mem>>) src(%dma_wait3A_266 : memref<40x128xf32, #tpu.memory_space<vmem>>) dst(%dma_wait3A_272 : memref<10240x128xf32, #tpu.memory_space<vmem_shared>>)
        tpu.yield
      }) : () -> ()
      %run_scoped3A_243 = arith.constant 1 : i32
      %run_scoped3A_244 = arith.constant 1 : i32
      "tpu.region"() ({
        %run_scoped3A_252 = tpu.sem_alloc : memref<!tpu.dma_semaphore, #tpu.memory_space<semaphore_mem>>
        %dma_start3A_253 = arith.constant 0 : i32
        %dma_start3A_254 = arith.constant 0 : i32
        %dma_start3A_255 = tpu.memref_slice %arg15[%run_scoped3A_243, %dma_start3A_253, %dma_start3A_254] : memref<2x40x16xf32, #tpu.memory_space<vmem>> -> memref<1x40x16xf32, #tpu.memory_space<vmem>>
        %dma_start3A_256 = tpu.memref_squeeze %dma_start3A_255 : memref<1x40x16xf32, #tpu.memory_space<vmem>> -> memref<40x16xf32, #tpu.memory_space<vmem>>
        %dma_start3A_257 = arith.constant 0 : i32
        %dma_start3A_258 = tpu.memref_slice %arg13[%run_scoped3A_244, %dma_start3A_257] : memref<2x40xi32, #tpu.memory_space<vmem>> -> memref<1x40xi32, #tpu.memory_space<vmem>>
        %dma_start3A_259 = tpu.memref_squeeze %dma_start3A_258 : memref<1x40xi32, #tpu.memory_space<vmem>> -> memref<40xi32, #tpu.memory_space<vmem>>
        %dma_start3A_260 = arith.constant 0 : i32
        %dma_start3A_261 = arith.constant 0 : i32
        %dma_start3A_262 = tpu.memref_slice %arg10[%dma_start3A_260, %dma_start3A_261] : memref<10240x16xf32, #tpu.memory_space<vmem_shared>> -> memref<10240x16xf32, #tpu.memory_space<vmem_shared>>
        tpu.enqueue_indirect_dma source(%dma_start3A_256 : memref<40x16xf32, #tpu.memory_space<vmem>>) target(%dma_start3A_262 : memref<10240x16xf32, #tpu.memory_space<vmem_shared>>) offsets(%dma_start3A_259 : memref<40xi32, #tpu.memory_space<vmem>>) semaphore(%run_scoped3A_252 : memref<!tpu.dma_semaphore, #tpu.memory_space<semaphore_mem>>) {add = true}
        %dma_wait3A_263 = arith.constant 0 : i32
        %dma_wait3A_264 = arith.constant 0 : i32
        %dma_wait3A_265 = tpu.memref_slice %arg15[%run_scoped3A_243, %dma_wait3A_263, %dma_wait3A_264] : memref<2x40x16xf32, #tpu.memory_space<vmem>> -> memref<1x40x16xf32, #tpu.memory_space<vmem>>
        %dma_wait3A_266 = tpu.memref_squeeze %dma_wait3A_265 : memref<1x40x16xf32, #tpu.memory_space<vmem>> -> memref<40x16xf32, #tpu.memory_space<vmem>>
        %dma_wait3A_267 = arith.constant 0 : i32
        %dma_wait3A_268 = tpu.memref_slice %arg13[%run_scoped3A_244, %dma_wait3A_267] : memref<2x40xi32, #tpu.memory_space<vmem>> -> memref<1x40xi32, #tpu.memory_space<vmem>>
        %dma_wait3A_269 = tpu.memref_squeeze %dma_wait3A_268 : memref<1x40xi32, #tpu.memory_space<vmem>> -> memref<40xi32, #tpu.memory_space<vmem>>
        %dma_wait3A_270 = arith.constant 0 : i32
        %dma_wait3A_271 = arith.constant 0 : i32
        %dma_wait3A_272 = tpu.memref_slice %arg10[%dma_wait3A_270, %dma_wait3A_271] : memref<10240x16xf32, #tpu.memory_space<vmem_shared>> -> memref<10240x16xf32, #tpu.memory_space<vmem_shared>>
        tpu.wait_indirect_dma semaphore(%run_scoped3A_252 : memref<!tpu.dma_semaphore, #tpu.memory_space<semaphore_mem>>) src(%dma_wait3A_266 : memref<40x16xf32, #tpu.memory_space<vmem>>) dst(%dma_wait3A_272 : memref<10240x16xf32, #tpu.memory_space<vmem_shared>>)
        tpu.yield
      }) : () -> ()
      %add3A_245 = arith.constant 2 : i32
      %add3A_246 = arith.addi %add3A_181, %add3A_245 : i32
      %lt3A_247 = arith.constant 250 : i32
      %lt3A_248 = arith.cmpi slt, %add3A_246, %lt3A_247 : i32
      %convert_element_type3A_249 = arith.extui %lt3A_248 : i1 to i32
      %cond3A_250 = arith.constant 0 : i32
      %cond3A_251 = arith.cmpi ne, %convert_element_type3A_249, %cond3A_250 : i32
      scf.if %cond3A_251 {
        %add3A_252 = arith.constant 2 : i32
        %add3A_253 = arith.addi %add3A_181, %add3A_252 : i32
        %mul3A_254 = arith.constant 40 : i32
        %mul3A_255 = arith.muli %add3A_253, %mul3A_254 : i32
        %add3A_256 = arith.addi %add3A, %mul3A_255 : i32
        %dma_start3A_257 = arith.constant 1 : i32
        %dma_start3A_258 = arith.constant 1 : i32
        %dma_start3A_259 = arith.constant 0 : i32
        %dma_start3A_260 = arith.constant 0 : i32
        %dma_start3A_261 = tpu.memref_slice %arg11[%dma_start3A_257, %dma_start3A_259, %dma_start3A_260] : memref<2x40x128xf32, #tpu.memory_space<vmem>> -> memref<1x40x128xf32, #tpu.memory_space<vmem>>
        %dma_start3A_262 = tpu.memref_squeeze %dma_start3A_261 : memref<1x40x128xf32, #tpu.memory_space<vmem>> -> memref<40x128xf32, #tpu.memory_space<vmem>>
        %dma_start3A_263 = arith.constant 0 : i32
        %dma_start3A_264 = tpu.memref_slice %arg2[%add3A_256, %dma_start3A_263] : memref<320000x128xf32, #tpu.memory_space<hbm>> -> memref<40x128xf32, #tpu.memory_space<hbm>>
        %dma_start3A_265 = tpu.memref_slice %arg16[%dma_start3A_258] : memref<2x!tpu.dma_semaphore, #tpu.memory_space<semaphore_mem>> -> memref<1x!tpu.dma_semaphore, #tpu.memory_space<semaphore_mem>>
        %dma_start3A_266 = tpu.memref_squeeze %dma_start3A_265 : memref<1x!tpu.dma_semaphore, #tpu.memory_space<semaphore_mem>> -> memref<!tpu.dma_semaphore, #tpu.memory_space<semaphore_mem>>
        %dma_start3A_267 = arith.constant 0 : i32
        %dma_start3A_268 = arith.constant 0 : i32
        %dma_start3A_269 = tpu.memref_slice %arg11[%dma_start3A_257, %dma_start3A_267, %dma_start3A_268] : memref<2x40x128xf32, #tpu.memory_space<vmem>> -> memref<1x40x128xf32, #tpu.memory_space<vmem>>
        %dma_start3A_270 = tpu.memref_squeeze %dma_start3A_269 : memref<1x40x128xf32, #tpu.memory_space<vmem>> -> memref<40x128xf32, #tpu.memory_space<vmem>>
        %dma_start3A_271 = arith.constant 0 : i32
        %dma_start3A_272 = tpu.memref_slice %arg2[%add3A_256, %dma_start3A_271] : memref<320000x128xf32, #tpu.memory_space<hbm>> -> memref<40x128xf32, #tpu.memory_space<hbm>>
        tpu.enqueue_dma source(%dma_start3A_272 : memref<40x128xf32, #tpu.memory_space<hbm>>) target(%dma_start3A_270 : memref<40x128xf32, #tpu.memory_space<vmem>>) target_semaphore(%dma_start3A_266 : memref<!tpu.dma_semaphore, #tpu.memory_space<semaphore_mem>>)
        %dma_start3A_273 = arith.constant 1 : i32
        %dma_start3A_274 = arith.constant 1 : i32
        %dma_start3A_275 = arith.constant 0 : i32
        %dma_start3A_276 = arith.constant 0 : i32
        %dma_start3A_277 = tpu.memref_slice %arg12[%dma_start3A_273, %dma_start3A_275, %dma_start3A_276] : memref<2x40x128xf32, #tpu.memory_space<vmem>> -> memref<1x40x128xf32, #tpu.memory_space<vmem>>
        %dma_start3A_278 = tpu.memref_squeeze %dma_start3A_277 : memref<1x40x128xf32, #tpu.memory_space<vmem>> -> memref<40x128xf32, #tpu.memory_space<vmem>>
        %dma_start3A_279 = arith.constant 0 : i32
        %dma_start3A_280 = tpu.memref_slice %arg3[%add3A_256, %dma_start3A_279] : memref<320000x128xf32, #tpu.memory_space<hbm>> -> memref<40x128xf32, #tpu.memory_space<hbm>>
        %dma_start3A_281 = tpu.memref_slice %arg16[%dma_start3A_274] : memref<2x!tpu.dma_semaphore, #tpu.memory_space<semaphore_mem>> -> memref<1x!tpu.dma_semaphore, #tpu.memory_space<semaphore_mem>>
        %dma_start3A_282 = tpu.memref_squeeze %dma_start3A_281 : memref<1x!tpu.dma_semaphore, #tpu.memory_space<semaphore_mem>> -> memref<!tpu.dma_semaphore, #tpu.memory_space<semaphore_mem>>
        %dma_start3A_283 = arith.constant 0 : i32
        %dma_start3A_284 = arith.constant 0 : i32
        %dma_start3A_285 = tpu.memref_slice %arg12[%dma_start3A_273, %dma_start3A_283, %dma_start3A_284] : memref<2x40x128xf32, #tpu.memory_space<vmem>> -> memref<1x40x128xf32, #tpu.memory_space<vmem>>
        %dma_start3A_286 = tpu.memref_squeeze %dma_start3A_285 : memref<1x40x128xf32, #tpu.memory_space<vmem>> -> memref<40x128xf32, #tpu.memory_space<vmem>>
        %dma_start3A_287 = arith.constant 0 : i32
        %dma_start3A_288 = tpu.memref_slice %arg3[%add3A_256, %dma_start3A_287] : memref<320000x128xf32, #tpu.memory_space<hbm>> -> memref<40x128xf32, #tpu.memory_space<hbm>>
        tpu.enqueue_dma source(%dma_start3A_288 : memref<40x128xf32, #tpu.memory_space<hbm>>) target(%dma_start3A_286 : memref<40x128xf32, #tpu.memory_space<vmem>>) target_semaphore(%dma_start3A_282 : memref<!tpu.dma_semaphore, #tpu.memory_space<semaphore_mem>>)
        %dma_start3A_289 = arith.constant 1 : i32
        %dma_start3A_290 = arith.constant 1 : i32
        %dma_start3A_291 = arith.constant 1 : i32
        %dma_start3A_292 = arith.constant 0 : i32
        %dma_start3A_293 = tpu.memref_slice %arg13[%dma_start3A_290, %dma_start3A_292] : memref<2x40xi32, #tpu.memory_space<vmem>> -> memref<1x40xi32, #tpu.memory_space<vmem>>
        %dma_start3A_294 = tpu.memref_squeeze %dma_start3A_293 : memref<1x40xi32, #tpu.memory_space<vmem>> -> memref<40xi32, #tpu.memory_space<vmem>>
        %dma_start3A_295 = tpu.memref_slice %arg4[%dma_start3A_289, %add3A_256] : memref<2x320000xi32, #tpu.memory_space<hbm>> -> memref<1x40xi32, #tpu.memory_space<hbm>>
        %dma_start3A_296 = tpu.memref_squeeze %dma_start3A_295 : memref<1x40xi32, #tpu.memory_space<hbm>> -> memref<40xi32, #tpu.memory_space<hbm>>
        %dma_start3A_297 = tpu.memref_slice %arg16[%dma_start3A_291] : memref<2x!tpu.dma_semaphore, #tpu.memory_space<semaphore_mem>> -> memref<1x!tpu.dma_semaphore, #tpu.memory_space<semaphore_mem>>
        %dma_start3A_298 = tpu.memref_squeeze %dma_start3A_297 : memref<1x!tpu.dma_semaphore, #tpu.memory_space<semaphore_mem>> -> memref<!tpu.dma_semaphore, #tpu.memory_space<semaphore_mem>>
        %dma_start3A_299 = arith.constant 0 : i32
        %dma_start3A_300 = tpu.memref_slice %arg13[%dma_start3A_290, %dma_start3A_299] : memref<2x40xi32, #tpu.memory_space<vmem>> -> memref<1x40xi32, #tpu.memory_space<vmem>>
        %dma_start3A_301 = tpu.memref_squeeze %dma_start3A_300 : memref<1x40xi32, #tpu.memory_space<vmem>> -> memref<40xi32, #tpu.memory_space<vmem>>
        %dma_start3A_302 = tpu.memref_slice %arg4[%dma_start3A_289, %add3A_256] : memref<2x320000xi32, #tpu.memory_space<hbm>> -> memref<1x40xi32, #tpu.memory_space<hbm>>
        %dma_start3A_303 = tpu.memref_squeeze %dma_start3A_302 : memref<1x40xi32, #tpu.memory_space<hbm>> -> memref<40xi32, #tpu.memory_space<hbm>>
        tpu.enqueue_dma source(%dma_start3A_303 : memref<40xi32, #tpu.memory_space<hbm>>) target(%dma_start3A_301 : memref<40xi32, #tpu.memory_space<vmem>>) target_semaphore(%dma_start3A_298 : memref<!tpu.dma_semaphore, #tpu.memory_space<semaphore_mem>>)
      } else {
      }
    }
    %scan3A_106 = arith.constant 125 : i32
    %barrier3A_107 = arith.constant 0 : index
    tpu.barrier barrier_id(%barrier3A_107)
    "tpu.region"() ({
      %run_scoped3A = tpu.sem_alloc : memref<!tpu.dma_semaphore, #tpu.memory_space<semaphore_mem>>
      %dma_start3A_108 = arith.constant 0 : i32
      %dma_start3A_109 = tpu.memref_slice %arg7[%arg0, %mul3A_0, %dma_start3A_108] : memref<2x10240x128xf32, #tpu.memory_space<hbm>> -> memref<1x640x128xf32, #tpu.memory_space<hbm>>
      %dma_start3A_110 = tpu.memref_squeeze %dma_start3A_109 : memref<1x640x128xf32, #tpu.memory_space<hbm>> -> memref<640x128xf32, #tpu.memory_space<hbm>>
      %dma_start3A_111 = arith.constant 0 : i32
      %dma_start3A_112 = tpu.memref_slice %arg9[%mul3A_0, %dma_start3A_111] : memref<10240x128xf32, #tpu.memory_space<vmem_shared>> -> memref<640x128xf32, #tpu.memory_space<vmem_shared>>
      tpu.enqueue_dma source(%dma_start3A_112 : memref<640x128xf32, #tpu.memory_space<vmem_shared>>) target(%dma_start3A_110 : memref<640x128xf32, #tpu.memory_space<hbm>>) target_semaphore(%run_scoped3A : memref<!tpu.dma_semaphore, #tpu.memory_space<semaphore_mem>>)
      %dma_wait3A = arith.constant 0 : i32
      %dma_wait3A_113 = tpu.memref_slice %arg7[%arg0, %mul3A_0, %dma_wait3A] : memref<2x10240x128xf32, #tpu.memory_space<hbm>> -> memref<1x640x128xf32, #tpu.memory_space<hbm>>
      %dma_wait3A_114 = tpu.memref_squeeze %dma_wait3A_113 : memref<1x640x128xf32, #tpu.memory_space<hbm>> -> memref<640x128xf32, #tpu.memory_space<hbm>>
      %dma_wait3A_115 = arith.constant 0 : i32
      %dma_wait3A_116 = tpu.memref_slice %arg9[%mul3A_0, %dma_wait3A_115] : memref<10240x128xf32, #tpu.memory_space<vmem_shared>> -> memref<640x128xf32, #tpu.memory_space<vmem_shared>>
      tpu.wait_dma2 semaphore(%run_scoped3A : memref<!tpu.dma_semaphore, #tpu.memory_space<semaphore_mem>>) src(%dma_wait3A_116 : memref<640x128xf32, #tpu.memory_space<vmem_shared>>) dst(%dma_wait3A_114 : memref<640x128xf32, #tpu.memory_space<hbm>>)
      tpu.yield
    }) : () -> ()
    "tpu.region"() ({
      %run_scoped3A = tpu.sem_alloc : memref<!tpu.dma_semaphore, #tpu.memory_space<semaphore_mem>>
      %dma_start3A_108 = arith.constant 0 : i32
      %dma_start3A_109 = tpu.memref_slice %arg8[%arg0, %mul3A_0, %dma_start3A_108] : memref<2x10240x16xf32, #tpu.memory_space<hbm>> -> memref<1x640x16xf32, #tpu.memory_space<hbm>>
      %dma_start3A_110 = tpu.memref_squeeze %dma_start3A_109 : memref<1x640x16xf32, #tpu.memory_space<hbm>> -> memref<640x16xf32, #tpu.memory_space<hbm>>
      %dma_start3A_111 = arith.constant 0 : i32
      %dma_start3A_112 = tpu.memref_slice %arg10[%mul3A_0, %dma_start3A_111] : memref<10240x16xf32, #tpu.memory_space<vmem_shared>> -> memref<640x16xf32, #tpu.memory_space<vmem_shared>>
      tpu.enqueue_dma source(%dma_start3A_112 : memref<640x16xf32, #tpu.memory_space<vmem_shared>>) target(%dma_start3A_110 : memref<640x16xf32, #tpu.memory_space<hbm>>) target_semaphore(%run_scoped3A : memref<!tpu.dma_semaphore, #tpu.memory_space<semaphore_mem>>)
      %dma_wait3A = arith.constant 0 : i32
      %dma_wait3A_113 = tpu.memref_slice %arg8[%arg0, %mul3A_0, %dma_wait3A] : memref<2x10240x16xf32, #tpu.memory_space<hbm>> -> memref<1x640x16xf32, #tpu.memory_space<hbm>>
      %dma_wait3A_114 = tpu.memref_squeeze %dma_wait3A_113 : memref<1x640x16xf32, #tpu.memory_space<hbm>> -> memref<640x16xf32, #tpu.memory_space<hbm>>
      %dma_wait3A_115 = arith.constant 0 : i32
      %dma_wait3A_116 = tpu.memref_slice %arg10[%mul3A_0, %dma_wait3A_115] : memref<10240x16xf32, #tpu.memory_space<vmem_shared>> -> memref<640x16xf32, #tpu.memory_space<vmem_shared>>
      tpu.wait_dma2 semaphore(%run_scoped3A : memref<!tpu.dma_semaphore, #tpu.memory_space<semaphore_mem>>) src(%dma_wait3A_116 : memref<640x16xf32, #tpu.memory_space<vmem_shared>>) dst(%dma_wait3A_114 : memref<640x16xf32, #tpu.memory_space<hbm>>)
      tpu.yield
    }) : () -> ()
    return
  }
}

module attributes {stable_mosaic.version = 14 : i64} {
  func.func @_logits_body(%arg0: i32, %arg1: memref<6400x128xf32, #tpu.memory_space<vmem>>, %arg2: memref<6400x128xf32, #tpu.memory_space<vmem>>, %arg3: memref<320000xf32, #tpu.memory_space<vmem>>, %arg4: memref<6400x128xf32, #tpu.memory_space<vmem>>) attributes {dimension_semantics = [#tpu.dimension_semantics<arbitrary>], iteration_bounds = array<i64: 50>, scalar_prefetch = 0 : i64, scratch_operands = 0 : i64, tpu.core_type = #tpu.core_type<tc>, window_params = [{transform_indices = @transform_0, window_bounds = array<i64: 6400, 128>}, {transform_indices = @transform_1, window_bounds = array<i64: 6400, 128>}, {pipeline_mode = #tpu.pipeline_mode<synchronous>, transform_indices = @transform_2, window_bounds = array<i64: 320000>}, {transform_indices = @transform_3, window_bounds = array<i64: 6400, 128>}]} {
    %get3A = arith.constant 0 : index
    %get3A_0 = arith.constant 0 : index
    %get3A_1 = vector.load %arg1[%get3A, %get3A_0] : memref<6400x128xf32, #tpu.memory_space<vmem>>, vector<6400x128xf32>
    %get3A_2 = arith.constant 0 : index
    %get3A_3 = arith.constant 0 : index
    %get3A_4 = vector.load %arg2[%get3A_2, %get3A_3] : memref<6400x128xf32, #tpu.memory_space<vmem>>, vector<6400x128xf32>
    %mul3A = arith.mulf %get3A_1, %get3A_4 : vector<6400x128xf32>
    %iota3A = tpu.iota {dimensions = array<i32: 0>} : vector<128x128xi32>
    %jit3A = arith.constant 16 : i32
    %div3A = vector.broadcast %jit3A : i32 to vector<128x128xi32>
    %div3A_5 = arith.divsi %iota3A, %div3A : vector<128x128xi32>
    %sign3A = arith.constant 0 : i32
    %sign3A_6 = vector.broadcast %sign3A : i32 to vector<128x128xi32>
    %sign3A_7 = arith.cmpi sgt, %iota3A, %sign3A_6 : vector<128x128xi32>
    %sign3A_8 = arith.extui %sign3A_7 : vector<128x128xi1> to vector<128x128xi32>
    %sign3A_9 = arith.constant 0 : i32
    %sign3A_10 = vector.broadcast %sign3A_9 : i32 to vector<128x128xi32>
    %sign3A_11 = arith.cmpi slt, %iota3A, %sign3A_10 : vector<128x128xi32>
    %sign3A_12 = arith.extui %sign3A_11 : vector<128x128xi1> to vector<128x128xi32>
    %sign3A_13 = arith.subi %sign3A_8, %sign3A_12 : vector<128x128xi32>
    %sign3A_14 = arith.constant 0 : i32
    %sign3A_15 = arith.cmpi sgt, %jit3A, %sign3A_14 : i32
    %sign3A_16 = arith.extui %sign3A_15 : i1 to i32
    %sign3A_17 = arith.constant 0 : i32
    %sign3A_18 = arith.cmpi slt, %jit3A, %sign3A_17 : i32
    %sign3A_19 = arith.extui %sign3A_18 : i1 to i32
    %sign3A_20 = arith.subi %sign3A_16, %sign3A_19 : i32
    %ne3A = vector.broadcast %sign3A_20 : i32 to vector<128x128xi32>
    %ne3A_21 = arith.cmpi ne, %sign3A_13, %ne3A : vector<128x128xi32>
    %rem3A = vector.broadcast %jit3A : i32 to vector<128x128xi32>
    %rem3A_22 = arith.remsi %iota3A, %rem3A : vector<128x128xi32>
    %ne3A_23 = arith.constant 0 : i32
    %ne3A_24 = vector.broadcast %ne3A_23 : i32 to vector<128x128xi32>
    %ne3A_25 = arith.cmpi ne, %rem3A_22, %ne3A_24 : vector<128x128xi32>
    %and3A = arith.andi %ne3A_21, %ne3A_25 : vector<128x128xi1>
    %sub3A = arith.constant 1 : i32
    %sub3A_26 = vector.broadcast %sub3A : i32 to vector<128x128xi32>
    %sub3A_27 = arith.subi %div3A_5, %sub3A_26 : vector<128x128xi32>
    %select_n3A = arith.select %and3A, %sub3A_27, %div3A_5 : vector<128x128xi1>, vector<128x128xi32>
    %iota3A_28 = tpu.iota {dimensions = array<i32: 1>} : vector<128x128xi32>
    %jit3A_29 = arith.constant 16 : i32
    %div3A_30 = vector.broadcast %jit3A_29 : i32 to vector<128x128xi32>
    %div3A_31 = arith.divsi %iota3A_28, %div3A_30 : vector<128x128xi32>
    %sign3A_32 = arith.constant 0 : i32
    %sign3A_33 = vector.broadcast %sign3A_32 : i32 to vector<128x128xi32>
    %sign3A_34 = arith.cmpi sgt, %iota3A_28, %sign3A_33 : vector<128x128xi32>
    %sign3A_35 = arith.extui %sign3A_34 : vector<128x128xi1> to vector<128x128xi32>
    %sign3A_36 = arith.constant 0 : i32
    %sign3A_37 = vector.broadcast %sign3A_36 : i32 to vector<128x128xi32>
    %sign3A_38 = arith.cmpi slt, %iota3A_28, %sign3A_37 : vector<128x128xi32>
    %sign3A_39 = arith.extui %sign3A_38 : vector<128x128xi1> to vector<128x128xi32>
    %sign3A_40 = arith.subi %sign3A_35, %sign3A_39 : vector<128x128xi32>
    %sign3A_41 = arith.constant 0 : i32
    %sign3A_42 = arith.cmpi sgt, %jit3A_29, %sign3A_41 : i32
    %sign3A_43 = arith.extui %sign3A_42 : i1 to i32
    %sign3A_44 = arith.constant 0 : i32
    %sign3A_45 = arith.cmpi slt, %jit3A_29, %sign3A_44 : i32
    %sign3A_46 = arith.extui %sign3A_45 : i1 to i32
    %sign3A_47 = arith.subi %sign3A_43, %sign3A_46 : i32
    %ne3A_48 = vector.broadcast %sign3A_47 : i32 to vector<128x128xi32>
    %ne3A_49 = arith.cmpi ne, %sign3A_40, %ne3A_48 : vector<128x128xi32>
    %rem3A_50 = vector.broadcast %jit3A_29 : i32 to vector<128x128xi32>
    %rem3A_51 = arith.remsi %iota3A_28, %rem3A_50 : vector<128x128xi32>
    %ne3A_52 = arith.constant 0 : i32
    %ne3A_53 = vector.broadcast %ne3A_52 : i32 to vector<128x128xi32>
    %ne3A_54 = arith.cmpi ne, %rem3A_51, %ne3A_53 : vector<128x128xi32>
    %and3A_55 = arith.andi %ne3A_49, %ne3A_54 : vector<128x128xi1>
    %sub3A_56 = arith.constant 1 : i32
    %sub3A_57 = vector.broadcast %sub3A_56 : i32 to vector<128x128xi32>
    %sub3A_58 = arith.subi %div3A_31, %sub3A_57 : vector<128x128xi32>
    %select_n3A_59 = arith.select %and3A_55, %sub3A_58, %div3A_31 : vector<128x128xi1>, vector<128x128xi32>
    %eq3A = arith.cmpi eq, %select_n3A, %select_n3A_59 : vector<128x128xi32>
    %convert_element_type3A = arith.extui %eq3A : vector<128x128xi1> to vector<128x128xi32>
    %convert_element_type3A_60 = arith.sitofp %convert_element_type3A : vector<128x128xi32> to vector<128x128xf32>
    %dot_general3A = arith.constant dense<0.000000e+00> : vector<6400x128xf32>
    %dot_general3A_61 = tpu.matmul %mul3A, %convert_element_type3A_60, %dot_general3A {dimension_numbers = #tpu.dot_dimension_numbers<[1], [0], [0], [1], [0, 0, 1, 1], [], []>, transpose_lhs_hint = false} : vector<6400x128xf32>, vector<128x128xf32>, vector<6400x128xf32> -> vector<6400x128xf32>
    %mul3A_62 = arith.constant 6400 : i32
    %mul3A_63 = arith.muli %arg0, %mul3A_62 : i32
    %get3A_64 = arith.index_cast %mul3A_63 : i32 to index
    %get3A_65 = vector.load %arg3[%get3A_64] : memref<320000xf32, #tpu.memory_space<vmem>>, vector<6400xf32>
    %mul3A_66 = arith.constant 2.500000e-01 : f32
    %mul3A_67 = vector.broadcast %mul3A_66 : f32 to vector<6400xf32>
    %mul3A_68 = arith.mulf %get3A_65, %mul3A_67 : vector<6400xf32>
    %broadcast_in_dim3A = vector.shape_cast %mul3A_68 : vector<6400xf32> to vector<6400x1xf32>
    %mul3A_69 = vector.broadcast %broadcast_in_dim3A : vector<6400x1xf32> to vector<6400x128xf32>
    %mul3A_70 = arith.mulf %dot_general3A_61, %mul3A_69 : vector<6400x128xf32>
    %exp3A = math.exp %mul3A_70 : vector<6400x128xf32>
    %swap3A = arith.constant 0 : index
    %swap3A_71 = arith.constant 0 : index
    %swap3A_72 = vector.load %arg4[%swap3A, %swap3A_71] : memref<6400x128xf32, #tpu.memory_space<vmem>>, vector<6400x128xf32>
    tpu.vector_store %arg4[%swap3A, %swap3A_71], %exp3A {strides = array<i32>} : memref<6400x128xf32, #tpu.memory_space<vmem>>, vector<6400x128xf32>,
    return
  }
  func.func @transform_0(%arg0: i32) -> (i32, i32) {
    %c0_i32 = arith.constant 0 : i32
    %c0_i32_0 = arith.constant 0 : i32
    return %arg0, %c0_i32 : i32, i32
  }
  func.func @transform_1(%arg0: i32) -> (i32, i32) {
    %c0_i32 = arith.constant 0 : i32
    %c0_i32_0 = arith.constant 0 : i32
    return %arg0, %c0_i32 : i32, i32
  }
  func.func @transform_2(%arg0: i32) -> i32 {
    %c0_i32 = arith.constant 0 : i32
    %c0_i32_0 = arith.constant 0 : i32
    return %c0_i32 : i32
  }
  func.func @transform_3(%arg0: i32) -> (i32, i32) {
    %c0_i32 = arith.constant 0 : i32
    %c0_i32_0 = arith.constant 0 : i32
    return %arg0, %c0_i32 : i32, i32
  }
}

module attributes {stable_mosaic.version = 14 : i64} {
  func.func @_combine_body(%arg0: i32, %arg1: memref<2x1000x128xf32, #tpu.memory_space<vmem>>, %arg2: memref<2x1000x16xf32, #tpu.memory_space<vmem>>, %arg3: memref<1000x128xf32, #tpu.memory_space<vmem>>) attributes {dimension_semantics = [#tpu.dimension_semantics<arbitrary>], iteration_bounds = array<i64: 10>, scalar_prefetch = 0 : i64, scratch_operands = 0 : i64, tpu.core_type = #tpu.core_type<tc>, window_params = [{transform_indices = @transform_0, window_bounds = array<i64: 2, 1000, 128>}, {transform_indices = @transform_1, window_bounds = array<i64: 2, 1000, 16>}, {transform_indices = @transform_2, window_bounds = array<i64: 1000, 128>}]} {
    %get3A = arith.constant 0 : index
    %get3A_0 = arith.constant 0 : index
    %get3A_1 = arith.constant 0 : index
    %get3A_2 = vector.load %arg1[%get3A, %get3A_0, %get3A_1] : memref<2x1000x128xf32, #tpu.memory_space<vmem>>, vector<1x1000x128xf32>
    %get3A_3 = vector.shape_cast %get3A_2 : vector<1x1000x128xf32> to vector<1000x128xf32>
    %get3A_4 = arith.constant 1 : index
    %get3A_5 = arith.constant 0 : index
    %get3A_6 = arith.constant 0 : index
    %get3A_7 = vector.load %arg1[%get3A_4, %get3A_5, %get3A_6] : memref<2x1000x128xf32, #tpu.memory_space<vmem>>, vector<1x1000x128xf32>
    %get3A_8 = vector.shape_cast %get3A_7 : vector<1x1000x128xf32> to vector<1000x128xf32>
    %add3A = arith.addf %get3A_3, %get3A_8 : vector<1000x128xf32>
    %get3A_9 = arith.constant 0 : index
    %get3A_10 = arith.constant 0 : index
    %get3A_11 = arith.constant 0 : index
    %get3A_12 = vector.load %arg2[%get3A_9, %get3A_10, %get3A_11] : memref<2x1000x16xf32, #tpu.memory_space<vmem>>, vector<1x1000x16xf32>
    %get3A_13 = vector.shape_cast %get3A_12 : vector<1x1000x16xf32> to vector<1000x16xf32>
    %get3A_14 = arith.constant 1 : index
    %get3A_15 = arith.constant 0 : index
    %get3A_16 = arith.constant 0 : index
    %get3A_17 = vector.load %arg2[%get3A_14, %get3A_15, %get3A_16] : memref<2x1000x16xf32, #tpu.memory_space<vmem>>, vector<1x1000x16xf32>
    %get3A_18 = vector.shape_cast %get3A_17 : vector<1x1000x16xf32> to vector<1000x16xf32>
    %add3A_19 = arith.addf %get3A_13, %get3A_18 : vector<1000x16xf32>
    %iota3A = tpu.iota {dimensions = array<i32: 0>} : vector<16x128xi32>
    %iota3A_20 = tpu.iota {dimensions = array<i32: 1>} : vector<16x128xi32>
    %jit3A = arith.constant 16 : i32
    %div3A = vector.broadcast %jit3A : i32 to vector<16x128xi32>
    %div3A_21 = arith.divsi %iota3A_20, %div3A : vector<16x128xi32>
    %sign3A = arith.constant 0 : i32
    %sign3A_22 = vector.broadcast %sign3A : i32 to vector<16x128xi32>
    %sign3A_23 = arith.cmpi sgt, %iota3A_20, %sign3A_22 : vector<16x128xi32>
    %sign3A_24 = arith.extui %sign3A_23 : vector<16x128xi1> to vector<16x128xi32>
    %sign3A_25 = arith.constant 0 : i32
    %sign3A_26 = vector.broadcast %sign3A_25 : i32 to vector<16x128xi32>
    %sign3A_27 = arith.cmpi slt, %iota3A_20, %sign3A_26 : vector<16x128xi32>
    %sign3A_28 = arith.extui %sign3A_27 : vector<16x128xi1> to vector<16x128xi32>
    %sign3A_29 = arith.subi %sign3A_24, %sign3A_28 : vector<16x128xi32>
    %sign3A_30 = arith.constant 0 : i32
    %sign3A_31 = arith.cmpi sgt, %jit3A, %sign3A_30 : i32
    %sign3A_32 = arith.extui %sign3A_31 : i1 to i32
    %sign3A_33 = arith.constant 0 : i32
    %sign3A_34 = arith.cmpi slt, %jit3A, %sign3A_33 : i32
    %sign3A_35 = arith.extui %sign3A_34 : i1 to i32
    %sign3A_36 = arith.subi %sign3A_32, %sign3A_35 : i32
    %ne3A = vector.broadcast %sign3A_36 : i32 to vector<16x128xi32>
    %ne3A_37 = arith.cmpi ne, %sign3A_29, %ne3A : vector<16x128xi32>
    %rem3A = vector.broadcast %jit3A : i32 to vector<16x128xi32>
    %rem3A_38 = arith.remsi %iota3A_20, %rem3A : vector<16x128xi32>
    %ne3A_39 = arith.constant 0 : i32
    %ne3A_40 = vector.broadcast %ne3A_39 : i32 to vector<16x128xi32>
    %ne3A_41 = arith.cmpi ne, %rem3A_38, %ne3A_40 : vector<16x128xi32>
    %and3A = arith.andi %ne3A_37, %ne3A_41 : vector<16x128xi1>
    %sub3A = arith.constant 1 : i32
    %sub3A_42 = vector.broadcast %sub3A : i32 to vector<16x128xi32>
    %sub3A_43 = arith.subi %div3A_21, %sub3A_42 : vector<16x128xi32>
    %select_n3A = arith.select %and3A, %sub3A_43, %div3A_21 : vector<16x128xi1>, vector<16x128xi32>
    %eq3A = arith.cmpi eq, %iota3A, %select_n3A : vector<16x128xi32>
    %convert_element_type3A = arith.extui %eq3A : vector<16x128xi1> to vector<16x128xi32>
    %convert_element_type3A_44 = arith.sitofp %convert_element_type3A : vector<16x128xi32> to vector<16x128xf32>
    %dot_general3A = arith.constant dense<0.000000e+00> : vector<1000x128xf32>
    %dot_general3A_45 = tpu.matmul %add3A_19, %convert_element_type3A_44, %dot_general3A {dimension_numbers = #tpu.dot_dimension_numbers<[1], [0], [0], [1], [0, 0, 1, 1], [], []>, transpose_lhs_hint = false} : vector<1000x16xf32>, vector<16x128xf32>, vector<1000x128xf32> -> vector<1000x128xf32>
    %gt3A = arith.constant 0.000000e+00 : f32
    %gt3A_46 = vector.broadcast %gt3A : f32 to vector<1000x128xf32>
    %gt3A_47 = arith.cmpf ogt, %dot_general3A_45, %gt3A_46 : vector<1000x128xf32>
    %div3A_48 = arith.divf %add3A, %dot_general3A_45 : vector<1000x128xf32>
    %jit3A_49 = arith.constant 0.000000e+00 : f32
    %broadcast_in_dim3A = vector.broadcast %jit3A_49 : f32 to vector<1000x128xf32>
    %select_n3A_50 = arith.select %gt3A_47, %div3A_48, %broadcast_in_dim3A : vector<1000x128xi1>, vector<1000x128xf32>
    %swap3A = arith.constant 0 : index
    %swap3A_51 = arith.constant 0 : index
    %swap3A_52 = vector.load %arg3[%swap3A, %swap3A_51] : memref<1000x128xf32, #tpu.memory_space<vmem>>, vector<1000x128xf32>
    tpu.vector_store %arg3[%swap3A, %swap3A_51], %select_n3A_50 {strides = array<i32>} : memref<1000x128xf32, #tpu.memory_space<vmem>>, vector<1000x128xf32>,
    return
  }
  func.func @transform_0(%arg0: i32) -> (i32, i32, i32) {
    %c0_i32 = arith.constant 0 : i32
    %c0_i32_0 = arith.constant 0 : i32
    %c0_i32_1 = arith.constant 0 : i32
    return %c0_i32, %arg0, %c0_i32_0 : i32, i32, i32
  }
  func.func @transform_1(%arg0: i32) -> (i32, i32, i32) {
    %c0_i32 = arith.constant 0 : i32
    %c0_i32_0 = arith.constant 0 : i32
    %c0_i32_1 = arith.constant 0 : i32
    return %c0_i32, %arg0, %c0_i32_0 : i32, i32, i32
  }
  func.func @transform_2(%arg0: i32) -> (i32, i32) {
    %c0_i32 = arith.constant 0 : i32
    %c0_i32_0 = arith.constant 0 : i32
    return %arg0, %c0_i32 : i32, i32
  }
}

</mosaic_0001>

<sc_bundles>
// kernel: kernel.5.cloned.1.call-start
scs
__scs_entry_jumppad:
0x0: {  	(pc) =	sbr.rel $0x88, $3  }
0x1: {  	(tag) =	ssettag $0x0;
	lr =	simm.s32 $0x1  }
0x2: {  	[smem:$0x3F9C] =	sst lr;
	_ =	strace $0xD0000000  }
0x3: {  	_ = 	snop  }
0x4: {  	_ = 	snop  }
0x5: {  	_ = 	snop  }
0x6: {  	_ = 	snop  }
0x7: {  	_ = 	snop  }
__scs_overlays_trampoline_lowered:
0x8: {  	[smem:$0x3FAB] =	sst s0  }
0x9: {  	[smem:$0x3FAC] =	sst s1  }
0xa: {  	[smem:$0x3FAD] =	sst s2  }
0xb: {  	[smem:$0x3FAE] =	sst s3  }
0xc: {  	[smem:$0x3FAF] =	sst s4  }
0xd: {  	[smem:$0x3FB0] =	sst s5  }
0xe: {  	[smem:$0x3FB1] =	sst s6  }
0xf: {  	[smem:$0x3FB2] =	sst s7  }
0x10: {  	[smem:$0x3FB3] =	sst s8  }
0x11: {  	[smem:$0x3FB4] =	sst s9;
	s0 =	simm.s32 @!p0 $0x0  }
0x12: {  	s1 =	sld [smem:$0x3F9A];
	s0 =	simm.s32 @p0 $0x1  }
0x13: {  	[smem:$0x3FB5] =	sst s0;
	s0 =	simm.s32 @!p1 $0x0  }
0x14: {  	s2 =	sld [smem:$0x3F99];
	s0 =	simm.s32 @p1 $0x1  }
0x15: {  	[smem:$0x3FB6] =	sst s0;
	s0 =	simm.s32 @!p2 $0x0  }
0x16: {  	s3 =	sld [smem:$0x3FDB];
	s0 =	simm.s32 @p2 $0x1  }
0x17: {  	s4 =	simm.s32 $0x1BF5;
	[smem:$0x3FB8] =	sst s0  }
0x18: {  	s0 =	sld [smem:$0x3F9B];
	_ =	swait.ge [sflag:s4], $0x0  }
0x19: {  	s7 =	sld [smem:$0x3F9C]  }
0x1a: {  	s8 =	sadd.s32 $0xFFFFE003, lr  }
0x1b: {  	s9 =	sadd.s32 $0xFFFFFEF7, lr;
	s5 =	simm.s32 $0xFFFFFFFF;
	p2 =	slt.u32 s8, $0xFFFFF086  }
0x1c: {  	p1 =	slt.u32 s9, $0xF7A;
	s5 =	simm.s32 @!p2 $0x0  }
0x1d: {  	s5 =	simm.s32 @p1 $0x1;
	p0 =	seq.s32 s7, s2  }
0x1e: {  	s7 =	smul.u32 @!p0 $0xF7A, s2;
	p2 =	seq.s32 @!p0 s5, $0x0  }
0x1f: {  	s9 =	smul.u32 $0xF7A, s1;
	s8 =	simm.s32 @!p0 $0x1BF5;
	p2 =	por !p2, p0  }
0x20: {  	[sflag:s8] =	ssyncset.s32 @!p0 $0xFFFFF086;
	s6 =	sadd.s32 @!p0 s3, s7;
	s7 =	simm.s32 @!p0 $0x108  }
0x21: {  	s3 =	sadd.s32 s3, s9;
	s6 =	sadd.s32 @!p0 $0x88, s6;
	s7 =	simm.s32 @p2 $0x1082  }
0x22: {  	[simem:s7], [sflag:s8] =	dma.local @!p0 [hbm:s6], $0xF7A  }
0x23: {  	s9 =	sor.u32 $0xD0000000, s2;
	s6 =	simm.s32 $0x108;
	_ =	swait.ge @!p0 [sflag:s8], $0x0  }
0x24: {  	s3 =	sadd.s32 $0x88, s3;
	s6 =	simm.s32 @!p1 $0x1082;
	[sflag:s4] =	ssyncset.s32 $0xFFFFF086  }
0x25: {  	[simem:s6], [sflag:s4] =	dma.local [hbm:s3], $0xF7A  }
0x26: {  	[smem:$0x3F9C] =	sst s1;
	(tag) =	ssettag s2;
	_ =	strace s9  }
0x27: {  	s1 =	sld [smem:$0x3FAC]  }
0x28: {  	s2 =	sld [smem:$0x3FAD]  }
0x29: {  	s4 =	sld [smem:$0x3FAF]  }
0x2a: {  	p0 =	seq.s32 s5, $0x0;
	s5 =	sld [smem:$0x3FB0]  }
0x2b: {  	s6 =	sld [smem:$0x3FB1]  }
0x2c: {  	s7 =	sld [smem:$0x3FB2]  }
0x2d: {  	s3 =	simm.s32 $0x108;
	s8 =	sld [smem:$0x3FB3]  }
0x2e: {  	s3 =	simm.s32 @!p0 $0x1082;
	s9 =	sld [smem:$0x3FB4]  }
0x2f: {  	lr =	sadd.s32 s0, s3;
	s0 =	sld [smem:$0x3FAB]  }
0x30: {  	s3 =	sld [smem:$0x3FAE]  }
0x31: {  	[smem:$0x3FB7] =	sst s10  }
0x32: {  	s10 =	sld [smem:$0x3FB5];
	_ =	sdelay $0x3  }
0x33: {  	p0 =	seq.s32 s10, $0x1;
	s10 =	sld [smem:$0x3FB7];
	_ =	sdelay $0x3  }
0x34: {  	[smem:$0x3FB7] =	sst s10  }
0x35: {  	s10 =	sld [smem:$0x3FB6];
	_ =	sdelay $0x3  }
0x36: {  	p1 =	seq.s32 s10, $0x1;
	s10 =	sld [smem:$0x3FB7];
	_ =	sdelay $0x3  }
0x37: {  	[smem:$0x3FB7] =	sst s10  }
0x38: {  	s10 =	sld [smem:$0x3FB8]  }
0x39: {  	_ = 	snop;
	(pc) =	sbr.ind lr, $3  }
0x3a: {  	_ = 	snop  }
0x3b: {  	_ = 	snop  }
0x3c: {  	p2 =	seq.s32 s10, $0x1;
	s10 =	sld [smem:$0x3FB7]  }
0x3d: {  	_ =	shalt  }
0x3e: {  	_ =	shalt  }
0x3f: {  	_ =	shalt  }
0x40: {  	_ =	shalt  }
0x41: {  	_ =	shalt  }
0x42: {  	_ =	shalt  }
0x43: {  	_ =	shalt  }
0x44: {  	_ =	shalt  }
0x45: {  	_ =	shalt  }
0x46: {  	_ =	shalt  }
0x47: {  	_ =	shalt  }
0x48: {  	_ =	shalt  }
0x49: {  	_ =	shalt  }
0x4a: {  	_ =	shalt  }
0x4b: {  	_ =	shalt  }
0x4c: {  	_ =	shalt  }
0x4d: {  	_ =	shalt  }
0x4e: {  	_ =	shalt  }
0x4f: {  	_ =	shalt  }
0x50: {  	_ =	shalt  }
0x51: {  	_ =	shalt  }
0x52: {  	_ =	shalt  }
0x53: {  	_ =	shalt  }
0x54: {  	_ =	shalt  }
0x55: {  	_ =	shalt  }
0x56: {  	_ =	shalt  }
0x57: {  	_ =	shalt  }
0x58: {  	_ =	shalt  }
0x59: {  	_ =	shalt  }
0x5a: {  	_ =	shalt  }
0x5b: {  	_ =	shalt  }
0x5c: {  	_ =	shalt  }
0x5d: {  	_ =	shalt  }
0x5e: {  	_ =	shalt  }
0x5f: {  	_ =	shalt  }
0x60: {  	_ =	shalt  }
0x61: {  	_ =	shalt  }
0x62: {  	_ =	shalt  }
0x63: {  	_ =	shalt  }
0x64: {  	_ =	shalt  }
0x65: {  	_ =	shalt  }
0x66: {  	_ =	shalt  }
0x67: {  	_ =	shalt  }
0x68: {  	_ =	shalt  }
0x69: {  	_ =	shalt  }
0x6a: {  	_ =	shalt  }
0x6b: {  	_ =	shalt  }
0x6c: {  	_ =	shalt  }
0x6d: {  	_ =	shalt  }
0x6e: {  	_ =	shalt  }
0x6f: {  	_ =	shalt  }
0x70: {  	_ =	shalt  }
0x71: {  	_ =	shalt  }
0x72: {  	_ =	shalt  }
0x73: {  	_ =	shalt  }
0x74: {  	_ =	shalt  }
0x75: {  	_ =	shalt  }
0x76: {  	_ =	shalt  }
0x77: {  	_ =	shalt  }
0x78: {  	_ =	shalt  }
0x79: {  	_ =	shalt  }
0x7a: {  	_ =	shalt  }
0x7b: {  	_ =	shalt  }
0x7c: {  	_ =	shalt  }
0x7d: {  	_ =	shalt  }
0x7e: {  	_ =	shalt  }
0x7f: {  	_ =	shalt  }
0x80: {  	_ =	shalt  }
0x81: {  	_ =	shalt  }
0x82: {  	_ =	shalt  }
0x83: {  	_ =	shalt  }
0x84: {  	_ =	shalt  }
0x85: {  	_ =	shalt  }
0x86: {  	_ =	shalt  }
0x87: {  	_ =	shalt  }
.Lfunc_end0:
.L_simem_size_0:
called_computation_lowered:
.L_overlay_start_0:
0x88: {  	s2 =	sld [smem:$0x3FD9]  }
0x89: {  	s3 =	sld [smem:$0x3FFE];
	_ =	sdelay $0x1  }
0x8a: {  	s1 =	srdreg.scid  }
0x8b: {  	s0 =	sand.u32 $0x1, s1  }
0x8c: {  	s17 =	sshll.u32 s0, $0xA;
	s2 =	sadd.s32 s3, s2  }
0x8d: {  	s2 =	sadd.s32 s2, s17  }
0x8e: {  	[smem:$0x3FC3] =	sst s2  }
0x8f: {  	_ = 	snop  }
0x90: {  	s2 =	sld [smem:$0x3FC8]  }
0x91: {  	s18 =	sld [smem:$0x3FD0];
	(tm) =	ssettm $0x1  }
0x92: {  	s4 =	sld [smem:$0x3FFB];
	_ =	sdelay $0x3  }
0x93: {  	_ =	strace s4  }
0x94: {  	s4 =	sld [smem:$0x3FFC];
	_ =	sdelay $0x3  }
0x95: {  	_ =	strace s4  }
0x96: {  	s4 =	sld [smem:$0x3FFD];
	_ =	sdelay $0x3  }
0x97: {  	_ =	strace s4  }
0x98: {  	_ =	strace $0x8FFFFFFF  }
0x99: {  	s19 =	sld [smem:$0x3FDB];
	_ =	sdelay $0x1  }
0x9a: {  	s5 =	simm.s32 $_scs_section_size  }
0x9b: {  	s6 =	simm.s32 $_size__tile_overlayer_lowered;
	s7 =	simm.s32 $_tile_overlayer_lowered  }
0x9c: {  	s22 =	simm.s32 $0x1BFF;
	s21 =	sshll.u32 s7, $0x1;
	s4 =	sadd.s32 s5, s19  }
0x9d: {  	s8 =	simm.s32 $0x0;
	s20 =	sshll.u32 s6, $0x1;
	s6 =	sadd.s32 s21, s4  }
0x9e: {  	[timem:s8], [sflag:s22] =	dma.local [hbm:s6], s20  }
0x9f: {  	_ =	swait.ge [sflag:s22], s20  }
0xa0: {  	s5 =	ssub.s32 $0x0, s20;
	[sflag:s22] =	ssyncset.done $0x0  }
0xa1: {  	[sflag:s22] =	ssyncadd.s32 s5;
	_ =	sdelay $0x1  }
0xa2: {  	s23 =	simm.s32 $0x1B8B  }
0xa3: {  	_ =	swait.ge [sflag:s23], $0x1  }
0xa4: {  	[sflag:s23] =	ssyncset.done $0x0  }
0xa5: {  	s25 =	simm.s32 $0x1B8E;
	s24 =	sld [smem:$0x3FFE];
	[sflag:s23] =	ssyncadd.s32 $0xFFFFFFFF  }
0xa6: {  	s26 =	simm.s32 $execute0_lowered;
	[smem:$0x3FD2] =	sst s25  }
0xa7: {  	s6 =	sshll.u32 s26, $0x1;
	_ =	strace $0x80000046;
	[dreg:$0x1] =	wrdreg $0xFFFFFFFF  }
0xa8: {  	s28 =	simm.s32 $_size_execute0_lowered;
	s4 =	sadd.s32 s4, s6;
	[dreg:$0x0] =	wrdreg $0x0  }
0xa9: {  	s6 =	sshll.u32 s28, $0x1;
	[dreg:$0x2] =	wrdreg s4  }
0xaa: {  	[dreg:$0x3] =	wrdreg s6  }
0xab: {  	[dreg:$0x4] =	wrdreg $0xC0  }
0xac: {  	_ =	task [dreg:s8], $0x5FFFF  }
0xad: {  	[dreg:$0x1] =	wrdreg $0xFFFFFFFF  }
0xae: {  	[dreg:$0x0] =	wrdreg $0x60  }
0xaf: {  	[dreg:$0x2] =	wrdreg s2  }
0xb0: {  	[dreg:$0x3] =	wrdreg s24  }
0xb1: {  	[dreg:$0x4] =	wrdreg s18  }
0xb2: {  	[dreg:$0x5] =	wrdreg $0x0  }
0xb3: {  	[dreg:$0x6] =	wrdreg $0x140000  }
0xb4: {  	[dreg:$0x7] =	wrdreg $0x9  }
0xb5: {  	_ =	task.clear_ibuf [dreg:s8], $0x8FFFF;
	_ =	strace $0x90000046  }
0xb6: {  	s29 =	simm.s32 $0x9;
	_ =	strace $0x80000048  }
0xb7: {  	_ =	swait.ge [sflag:s29], $0x1  }
0xb8: {  	[sflag:s29] =	ssyncadd.s32 $0xFFFFFFFF  }
0xb9: {  	_ =	strace $0x90000048  }
0xba: {  	_ =	sfence  }
0xbb: {  	s30 =	sld [smem:$0x0];
	_ =	sdelay $0x2  }
0xbc: {  	s31 =	sshll.u32 s1, $0xD;
	s1 =	sshrl.u32 s1, $0x2  }
0xbd: {  	s3 =	sand.u32 $0x4000, s31;
	s1 =	sadd.s32 s1, s30  }
0xbe: {  	s0 =	sor.u32 s3, s0;
	s1 =	sshll.u32 s1, $0x11  }
0xbf: {  	s0 =	sor.u32 s1, s0  }
0xc0: {  	s0 =	sadd.s32 $0x8F2B, s0  }
0xc1: {  	[sflag:s0] =	ssyncadd.remote.s32 $0x1  }
0xc2: {  	_ =	sfence.sel $0xFFFF  }
0xc3: {  	[dreg:$0x0] =	wrdreg $0xFFFFFFFF;
	(pc) =	sbr.abs _section_cstart, $3  }
0xc4: {  	[dreg:$0x1] =	wrdreg $0xFFFFFFFF  }
0xc5: {  	_ =	task.clear_ibuf [dreg:s8], $0x2FFFF;
	_ =	strace $0x9FFFFFFF  }
0xc6: {  	(tm) =	ssettm $0x7FFFFFFF  }
0xc7: {  	_ =	shalt  }
tec
execute0_lowered:
.L_overlay_start_1:
0x0: {  	(tag) =	ssettag $0x1  }
0x1: {  	s1 =	rddreg [dreg:$0x0]  }
0x2: {  	s0 =	rddreg [dreg:$0x1]  }
0x3: {  	s3 =	rddreg [dreg:$0x2]  }
0x4: {  	s4 =	rddreg [dreg:$0x3]  }
0x5: {  	s5 =	rddreg [dreg:$0x4];
	s16 =	stileid.u32  }
0x6: {  	s7 =	srdreg.scid;
	s6 =	simm.s32 $0x0;
	s2 =	smul.u32 $0x14000, s16  }
0x7: {  	s28 =	simm.s32 $0x1B800;
	s29 =	simm.s32 $0x17C00;
	s8 =	smul.u32 $0x2800, s16  }
0x8: {  	s30 =	simm.s32 $0x1A400;
	s9 =	sand.u32 $0x1, s7;
	s26 =	smul.u32 $0x2710, s16  }
0x9: {  	s31 =	simm.s32 $0x1B828;
	[smem:$0x7FF] =	sst s6;
	s10 =	smul.u32 $0x140000, s9  }
0xa: {  	s7 =	sadd.s32 $0xC00, s0;
	s16 =	sshll.u32 s16, $0x6;
	s13 =	smul.u32 $0x28000, s9  }
0xb: {  	_ =	strace $0x80000047;
	s25 =	ssub.s32 $0x2, s9;
	s9 =	smul.u32 $0x27100, s9  }
0xc: {  	s11 =	sshrl.u32 s2, $0x3;
	s12 =	sshrl.u32 s8, $0x3;
	s15 =	sshrl.u32 s25, $0x1  }
0xd: {  	s17 =	sadd.s32 s8, s5;
	s10 =	sadd.s32 s2, s10;
	s11 =	sadd.s32 s11, s0  }
0xe: {  	s12 =	sadd.s32 s12, s0;
	s24 =	sadd.s32 s8, s13;
	s13 =	ssub.s32 s25, s15  }
0xf: {  	s2 =	sadd.s32 s2, s4;
	[dreg:$0x8] =	wrdreg s17;
	s18 =	sadd.s32 s26, s9  }
0x10: {  	s10 =	sshrl.u32 s10, $0x3;
	[dreg:$0x6] =	wrdreg s2;
	s11 =	sadd.s32 $0x4E7C00, s11  }
0x11: {  	s19 =	sadd.s32 $0x4E2C00, s12;
	s20 =	sshll.u32 s18, $0x4;
	s9 =	sshrl.u32 s18, $0x3  }
0x12: {  	s23 =	sadd.s32 $0x4E228, s18;
	s2 =	simm.s32 $0x28;
	s12 =	simm.s32 $0x0  }
0x13: {  	s14 =	sadd.s32 s10, s0;
	s10 =	sshrl.u32 s24, $0x3;
	[dreg:$0x7] =	wrdreg s11  }
0x14: {  	[dreg:$0x9] =	wrdreg s19;
	s21 =	sadd.s32 s1, s20;
	s22 =	sadd.s32 s7, s20  }
0x15: {  	s9 =	sadd.s32 s3, s9;
	s8 =	sadd.s32 $0x280, s20;
	s25 =	sshrl.u32 s23, $0x3  }
0x16: {  	s19 =	sadd.s32 $0x50, s18;
	s20 =	sadd.s32 $0x78, s18;
	[dreg:$0xa] =	wrdreg s21  }
0x17: {  	s23 =	smax.u32 s13, $0x1;
	[dreg:$0xb] =	wrdreg s22;
	s9 =	sadd.s32 $0x9C40, s9  }
0x18: {  	s11 =	simm.s32 $0x1E2D0;
	s24 =	sadd.s32 s1, s8;
	[dreg:$0xc] =	wrdreg s9  }
0x19: {  	s0 =	sadd.s32 s10, s0;
	s8 =	sadd.s32 s7, s8;
	[dreg:$0xd] =	wrdreg s24  }
.Ltmp0:
0x1a: {  	s26 =	sadd.s32 $0x519C00, s14;
	[dreg:$0xe] =	wrdreg s8;
	(pc) =	sbr.rel .LBB2_1-.Ltmp0, $4  }
0x1b: {  	s10 =	sor.u32 $0x1C03, s16;
	s8 =	sadd.s32 s3, s25;
	[dreg:$0x10] =	wrdreg s26  }
0x1c: {  	vm0 =	vmmov $0x1;
	vm1 =	vcmask $0x320;
	s0 =	sadd.s32 $0x50FC00, s0;
	s24 =	simm.s32 $0x3;
	s25 =	simm.s32 $0x1B850  }
0x1d: {  	vm2 =	vcmask $0x720;
	vm3 =	vcmask $0xB20;
	vm4 =	vcmask $0xF20;
	s26 =	simm.s32 $0x1E050;
	s9 =	simm.s32 $0x1CC50;
	[dreg:$0xf] =	wrdreg s8  }
0x1e: {  	vm5 =	vcmask $0x1320;
	vm6 =	vcmask $0x1720;
	vm7 =	vcmask $0x1B20;
	[dreg:$0x11] =	wrdreg s0;
	s0 =	simm.s32 $0x1;
	s8 =	simm.s32 $0x2  }
.LBB2_8:
0x1f: {  	[bflag:$0x0] =	sbarrier.arrive $0xFFFF  }
0x20: {  	s15 =	rddreg [dreg:$0x10]  }
0x21: {  	[hbm:s15], [sflag:s10] =	dma.local [spmem:s13], $0x2800  }
0x22: {  	s12 =	sadd.s32 $0x1, s12;
	_ =	swait.ge [sflag:s24], $0x2800  }
0x23: {  	p0 =	sne.s32 s12, s23;
	[sflag:s24] =	ssyncset.done $0x0  }
.Ltmp1:
0x24: {  	s22 =	rddreg [dreg:$0x11];
	[sflag:s24] =	ssyncadd.s32 $0xFFFFD800;
	(pc) =	sbr.rel @!p0 .LBB2_9-.Ltmp1, $4  }
0x25: {  	[hbm:s22], [sflag:s10] =	dma.local [spmem:s14], $0x500  }
0x26: {  	_ =	swait.ge [sflag:s24], $0x500  }
0x27: {  	[sflag:s24] =	ssyncset.done $0x0  }
0x28: {  	[sflag:s24] =	ssyncadd.s32 $0xFFFFFB00  }
.LBB2_1:
0x29: {  	s13 =	rddreg [dreg:$0x6]  }
0x2a: {  	s14 =	rddreg [dreg:$0x7];
	s13 =	sshrl.u32 s13, $0x3  }
0x2b: {  	[spmem:s13], [sflag:s10] =	dma.local [hbm:s14], $0x2800  }
0x2c: {  	_ =	swait.ge [sflag:s24], $0x2800  }
0x2d: {  	[sflag:s24] =	ssyncset.done $0x0;
	s17 =	rddreg [dreg:$0x8]  }
0x2e: {  	s15 =	rddreg [dreg:$0x9];
	[sflag:s24] =	ssyncadd.s32 $0xFFFFD800;
	s14 =	sshrl.u32 s17, $0x3  }
0x2f: {  	[spmem:s14], [sflag:s10] =	dma.local [hbm:s15], $0x500  }
0x30: {  	_ =	swait.ge [sflag:s24], $0x500  }
0x31: {  	[sflag:s24] =	ssyncset.done $0x0  }
0x32: {  	[sflag:s24] =	ssyncadd.s32 $0xFFFFFB00  }
0x33: {  	[bflag:$0x0] =	sbarrier.arrive $0xFFFF  }
0x34: {  	s16 =	simm.s32 $0x16800;
	s18 =	rddreg [dreg:$0xa]  }
0x35: {  	[tilespmem:s16], [sflag:$0x1] =	stream.linear.gather [hbm4b:s18+s6], $0x1400, $0x38;
	[tilespmem:$0x1E550] =	vst v63  }
0x36: {  	s22 =	simm.s32 $0x19000;
	s21 =	rddreg [dreg:$0xb]  }
0x37: {  	[tilespmem:s22], [sflag:$0x1] =	stream.linear.gather [hbm4b:s21+s6], $0x1400, $0x38;
	[tilespmem:$0x1E550] =	vst v63  }
0x38: {  	s17 =	rddreg [dreg:$0xc]  }
0x39: {  	[tilespmem:s28], [sflag:$0x1] =	stream.linear.gather [hbm4b:s17+s6], $0x28, $0x38;
	[tilespmem:$0x1E550] =	vst v63  }
0x3a: {  	s18 =	rddreg [dreg:$0xd]  }
0x3b: {  	[tilespmem:s29], [sflag:$0x2] =	stream.linear.gather [hbm4b:s18+s6], $0x1400, $0x38;
	[tilespmem:$0x1E550] =	vst v63  }
0x3c: {  	s21 =	rddreg [dreg:$0xe]  }
0x3d: {  	[tilespmem:s30], [sflag:$0x2] =	stream.linear.gather [hbm4b:s21+s6], $0x1400, $0x38;
	[tilespmem:$0x1E550] =	vst v63  }
0x3e: {  	s15 =	simm.s32 $0x0;
	s22 =	rddreg [dreg:$0xf]  }
0x3f: {  	[tilespmem:s31], [sflag:$0x2] =	stream.linear.gather [hbm4b:s22+s6], $0x28, $0x38;
	[tilespmem:$0x1E550] =	vst v63  }
.LBB2_2:
0x40: {  	_ =	swait.ge [sflag:s0], $0x1400  }
0x41: {  	[sflag:s0] =	ssyncset.done $0x0  }
0x42: {  	[sflag:s0] =	ssyncadd.s32 $0xFFFFEC00  }
0x43: {  	_ =	swait.ge [sflag:s0], $0x1400  }
0x44: {  	[sflag:s0] =	ssyncset.done $0x0  }
0x45: {  	[sflag:s0] =	ssyncadd.s32 $0xFFFFEC00  }
0x46: {  	_ =	swait.ge [sflag:s0], $0x28  }
0x47: {  	[sflag:s0] =	ssyncset.done $0x0  }
0x48: {  	s17 =	simm.s32 $0x0;
	[sflag:s0] =	ssyncadd.s32 $0xFFFFFFD8  }
0x49: {  	v0 =	vld [tilespmem:s17+$0x16840]  }
0x4a: {  	v1 =	vld [tilespmem:s17+$0x16850]  }
0x4b: {  	v2 =	vld [tilespmem:s17+$0x16860]  }
0x4c: {  	v3 =	vld [tilespmem:s17+$0x16870]  }
0x4d: {  	v4 =	vld [tilespmem:s17+$0x19070]  }
0x4e: {  	v5 =	vld [tilespmem:s17+$0x19060]  }
0x4f: {  	v6 =	vld [tilespmem:s17+$0x19050]  }
0x50: {  	v7 =	vld [tilespmem:s17+$0x19040]  }
0x51: {  	v8 =	vld [tilespmem:s17+$0x19020]  }
0x52: {  	v9 =	vld [tilespmem:s17+$0x19010]  }
0x53: {  	v10 =	vld [tilespmem:s17+$0x19000]  }
0x54: {  	v11 =	vld [tilespmem:s17+$0x19030]  }
0x55: {  	v12 =	vld [tilespmem:s17+$0x16830]  }
0x56: {  	v13 =	vld [tilespmem:s17+$0x16820];
	v3 =	vmul.f32 v3, v4  }
0x57: {  	v14 =	vld [tilespmem:s17+$0x16800];
	v15 =	vbroadcast v9, $0x0;
	v2 =	vmul.f32 v2, v5  }
0x58: {  	v17 =	vld [tilespmem:s17+$0x16810];
	v16 =	vnsel vm0, $0x0, v10;
	v18 =	vbroadcast v8, $0x0;
	v1 =	vmul.f32 v1, v6;
	[tilespmem:s17+$0x1B8C0] =	vst v3  }
0x59: {  	v63 =	vbroadcast v11, $0x0;
	v0 =	vmul.f32 v0, v7;
	v3 =	vsel vm1, v16, v15;
	[tilespmem:s17+$0x1B8B0] =	vst v2  }
0x5a: {  	v7 =	vbroadcast v7, $0x0;
	[tilespmem:s17+$0x1B8A0] =	vst v1;
	v2 =	vsel vm2, v3, v18;
	v3 =	vmul.f32 v12, v11  }
0x5b: {  	v1 =	vmul.f32 v13, v8;
	[tilespmem:s17+$0x1B890] =	vst v0;
	v0 =	vbroadcast v6, $0x0;
	v2 =	vsel vm3, v2, v63  }
0x5c: {  	v6 =	vmul.f32 v14, v10;
	[tilespmem:s17+$0x1B880] =	vst v3;
	v2 =	vsel vm4, v2, v7;
	v3 =	vbroadcast v5, $0x0  }
0x5d: {  	[tilespmem:s17+$0x1B870] =	vst v1;
	v1 =	vbroadcast v4, $0x0;
	v5 =	vmul.f32 v17, v9;
	v0 =	vsel vm5, v2, v0  }
0x5e: {  	[tilespmem:s17+$0x1B850] =	vst v6;
	v0 =	vsel vm6, v0, v3  }
0x5f: {  	s16 =	simm.s32 $0x1E050;
	[tilespmem:s17+$0x1B860] =	vst v5;
	v0 =	vsel vm7, v0, v1  }
0x60: {  	s17 =	simm.s32 $0x80;
	[tilespmem:s16+$0x0] =	vst v0  }
0x61: {  	v3 =	vld [tilespmem:s17+$0x16840]  }
0x62: {  	v5 =	vld [tilespmem:s17+$0x16850]  }
0x63: {  	v7 =	vld [tilespmem:s17+$0x16860]  }
0x64: {  	v8 =	vld [tilespmem:s17+$0x16870]  }
0x65: {  	v0 =	vld [tilespmem:s17+$0x19070]  }
0x66: {  	v1 =	vld [tilespmem:s17+$0x19060]  }
0x67: {  	v2 =	vld [tilespmem:s17+$0x19050]  }
0x68: {  	v6 =	vld [tilespmem:s17+$0x19040]  }
0x69: {  	s18 =	simm.s32 $0x400;
	v4 =	vld [tilespmem:s17+$0x19020]  }
.LBB2_3:
0x6a: {  	p0 =	sne.s32 s18, $0x4E00;
	v9 =	vld [tilespmem:s17+$0x19010]  }
0x6b: {  	v10 =	vld [tilespmem:s17+$0x19000]  }
0x6c: {  	v11 =	vld [tilespmem:s17+$0x19030]  }
0x6d: {  	v12 =	vld [tilespmem:s17+$0x16830]  }
0x6e: {  	v8 =	vmul.f32 v8, v0;
	v13 =	vld [tilespmem:s17+$0x16820]  }
0x6f: {  	v7 =	vmul.f32 v7, v1;
	v14 =	vld [tilespmem:s17+$0x16800];
	v15 =	vbroadcast v9, $0x0  }
0x70: {  	v5 =	vmul.f32 v5, v2;
	v18 =	vbroadcast v4, $0x0;
	v16 =	vnsel vm0, $0x0, v10;
	v17 =	vld [tilespmem:s17+$0x16810];
	[tilespmem:s17+$0x1B8C0] =	vst v8  }
0x71: {  	v3 =	vmul.f32 v3, v6;
	v8 =	vsel vm1, v16, v15;
	v15 =	vbroadcast v11, $0x0;
	[tilespmem:s17+$0x1B8B0] =	vst v7  }
0x72: {  	v6 =	vbroadcast v6, $0x0;
	v7 =	vsel vm2, v8, v18;
	v8 =	vmul.f32 v12, v11;
	[tilespmem:s17+$0x1B8A0] =	vst v5  }
0x73: {  	v2 =	vbroadcast v2, $0x0;
	v4 =	vmul.f32 v13, v4;
	v5 =	vsel vm3, v7, v15;
	[tilespmem:s17+$0x1B890] =	vst v3  }
0x74: {  	v1 =	vbroadcast v1, $0x0;
	v3 =	vmul.f32 v14, v10;
	[tilespmem:s17+$0x1B880] =	vst v8;
	v5 =	vsel vm4, v5, v6  }
0x75: {  	v0 =	vbroadcast v0, $0x0;
	v6 =	vmul.f32 v17, v9;
	[tilespmem:s17+$0x1B870] =	vst v4;
	v2 =	vsel vm5, v5, v2  }
0x76: {  	[tilespmem:s17+$0x1B850] =	vst v3;
	v1 =	vsel vm6, v2, v1  }
0x77: {  	s16 =	sadd.s32 $0x10, s16;
	[tilespmem:s17+$0x1B860] =	vst v6;
	v0 =	vsel vm7, v1, v0  }
0x78: {  	s17 =	sshra.s32 s18, $0x2;
	[tilespmem:s16+$0x0] =	vst v0  }
0x79: {  	v3 =	vld [tilespmem:s17+$0x16840]  }
0x7a: {  	v5 =	vld [tilespmem:s17+$0x16850]  }
0x7b: {  	v7 =	vld [tilespmem:s17+$0x16860]  }
0x7c: {  	v8 =	vld [tilespmem:s17+$0x16870]  }
.Ltmp2:
0x7d: {  	v0 =	vld [tilespmem:s17+$0x19070];
	(pc) =	sbr.rel @p0 .LBB2_3-.Ltmp2, $4  }
0x7e: {  	v1 =	vld [tilespmem:s17+$0x19060]  }
0x7f: {  	v2 =	vld [tilespmem:s17+$0x19050]  }
0x80: {  	v6 =	vld [tilespmem:s17+$0x19040]  }
0x81: {  	s18 =	sadd.s32 $0x200, s18;
	v4 =	vld [tilespmem:s17+$0x19020]  }
0x82: {  	v9 =	vld [tilespmem:s17+$0x19010]  }
0x83: {  	v10 =	vld [tilespmem:s17+$0x19000]  }
0x84: {  	v11 =	vld [tilespmem:s17+$0x19030]  }
0x85: {  	v13 =	vld [tilespmem:s17+$0x16820]  }
0x86: {  	v8 =	vmul.f32 v8, v0;
	v14 =	vld [tilespmem:s17+$0x16800]  }
0x87: {  	v12 =	vld [tilespmem:s17+$0x16830];
	v7 =	vmul.f32 v7, v1;
	v15 =	vbroadcast v9, $0x0  }
0x88: {  	v16 =	vld [tilespmem:s17+$0x16810];
	v5 =	vmul.f32 v5, v2;
	[tilespmem:s17+$0x1B8C0] =	vst v8;
	v18 =	vbroadcast v4, $0x0;
	v17 =	vnsel vm0, $0x0, v10  }
0x89: {  	v3 =	vmul.f32 v3, v6;
	[tilespmem:s17+$0x1B8B0] =	vst v7;
	v55 =	vbroadcast v11, $0x0;
	v8 =	vsel vm1, v17, v15  }
0x8a: {  	v6 =	vbroadcast v6, $0x0;
	[tilespmem:s17+$0x1B8A0] =	vst v5;
	v4 =	vmul.f32 v13, v4;
	v7 =	vsel vm2, v8, v18  }
0x8b: {  	v2 =	vbroadcast v2, $0x0;
	[tilespmem:s17+$0x1B890] =	vst v3;
	v3 =	vmul.f32 v14, v10;
	v5 =	vsel vm3, v7, v55  }
0x8c: {  	v1 =	vbroadcast v1, $0x0;
	[tilespmem:s17+$0x1B870] =	vst v4;
	v8 =	vmul.f32 v12, v11;
	v5 =	vsel vm4, v5, v6  }
0x8d: {  	v0 =	vbroadcast v0, $0x0;
	[tilespmem:s17+$0x1B850] =	vst v3;
	v6 =	vmul.f32 v16, v9;
	v2 =	vsel vm5, v5, v2  }
0x8e: {  	[tilespmem:s17+$0x1B880] =	vst v8;
	v1 =	vsel vm6, v2, v1  }
0x8f: {  	s16 =	sadd.s32 $0x10, s16;
	[tilespmem:s17+$0x1B860] =	vst v6;
	v0 =	vsel vm7, v1, v0  }
0x90: {  	[tilespmem:s16+$0x0] =	vst v0  }
0x91: {  	[spmem:s4] =	stream.indirect.scatter.add.f32 [tilespmem:s25], [sflag:$0x3], $0x80, s28, s2, $0xb8;
	[tilespmem:$0x1E550] =	vst v63  }
0x92: {  	_ =	swait.ge [sflag:s24], $0x1400  }
0x93: {  	p0 =	seq.s32 s15, $0x7C;
	[sflag:s24] =	ssyncset.done $0x0  }
0x94: {  	s16 =	smul.u32 @!p0 $0x50, s15;
	[sflag:s24] =	ssyncadd.s32 $0xFFFFEC00  }
0x95: {  	[spmem:s5] =	stream.indirect.scatter.add.f32 [tilespmem:s26], [sflag:$0x3], $0x10, s28, s2, $0xb8;
	[tilespmem:$0x1E550] =	vst v63  }
0x96: {  	s21 =	simm.s32 @!p0 $0x0;
	s16 =	sadd.s32 @!p0 s16, s19;
	_ =	swait.ge [sflag:s24], $0x280  }
0x97: {  	s22 =	simm.s32 @!p0 $0x16800;
	s17 =	sshll.u32 @!p0 s16, $0x4;
	[sflag:s24] =	ssyncset.done $0x0  }
0x98: {  	s16 =	sshrl.u32 @!p0 s16, $0x3;
	s18 =	sadd.s32 @!p0 s1, s17;
	[sflag:s24] =	ssyncadd.s32 $0xFFFFFD80  }
0x99: {  	[tilespmem:s22], [sflag:$0x1] =	stream.linear.gather @!p0 [hbm4b:s18+s21], $0x1400, $0x38;
	[tilespmem:$0x1E550] =	vst v63  }
0x9a: {  	s17 =	sadd.s32 @!p0 s7, s17;
	s16 =	sadd.s32 @!p0 s3, s16;
	s18 =	simm.s32 @!p0 $0x19000  }
0x9b: {  	[tilespmem:s18], [sflag:$0x1] =	stream.linear.gather @!p0 [hbm4b:s17+s21], $0x1400, $0x38;
	[tilespmem:$0x1E550] =	vst v63  }
0x9c: {  	s16 =	sadd.s32 @!p0 $0x9C40, s16;
	s17 =	simm.s32 @!p0 $0x1B800  }
0x9d: {  	[tilespmem:s17], [sflag:$0x1] =	stream.linear.gather @!p0 [hbm4b:s16+s21], $0x28, $0x38;
	[tilespmem:$0x1E550] =	vst v63  }
0x9e: {  	_ =	swait.ge [sflag:s8], $0x1400  }
0x9f: {  	[sflag:s8] =	ssyncset.done $0x0  }
0xa0: {  	[sflag:s8] =	ssyncadd.s32 $0xFFFFEC00  }
0xa1: {  	_ =	swait.ge [sflag:s8], $0x1400  }
0xa2: {  	[sflag:s8] =	ssyncset.done $0x0  }
0xa3: {  	[sflag:s8] =	ssyncadd.s32 $0xFFFFEC00  }
0xa4: {  	_ =	swait.ge [sflag:s8], $0x28  }
0xa5: {  	[sflag:s8] =	ssyncset.done $0x0  }
0xa6: {  	s22 =	simm.s32 $0x0;
	[sflag:s8] =	ssyncadd.s32 $0xFFFFFFD8  }
0xa7: {  	v0 =	vld [tilespmem:s22+$0x17C40]  }
0xa8: {  	v1 =	vld [tilespmem:s22+$0x17C50]  }
0xa9: {  	v2 =	vld [tilespmem:s22+$0x17C60]  }
0xaa: {  	v3 =	vld [tilespmem:s22+$0x17C70]  }
0xab: {  	v4 =	vld [tilespmem:s22+$0x1A470]  }
0xac: {  	v5 =	vld [tilespmem:s22+$0x1A460]  }
0xad: {  	v6 =	vld [tilespmem:s22+$0x1A450]  }
0xae: {  	v7 =	vld [tilespmem:s22+$0x1A440]  }
0xaf: {  	v8 =	vld [tilespmem:s22+$0x1A420]  }
0xb0: {  	v9 =	vld [tilespmem:s22+$0x1A410]  }
0xb1: {  	v10 =	vld [tilespmem:s22+$0x1A400]  }
0xb2: {  	v11 =	vld [tilespmem:s22+$0x1A430]  }
0xb3: {  	v56 =	vld [tilespmem:s22+$0x17C30]  }
0xb4: {  	v57 =	vld [tilespmem:s22+$0x17C20];
	v3 =	vmul.f32 v3, v4  }
0xb5: {  	v58 =	vld [tilespmem:s22+$0x17C00];
	v59 =	vbroadcast v9, $0x0;
	v2 =	vmul.f32 v2, v5  }
0xb6: {  	v61 =	vld [tilespmem:s22+$0x17C10];
	v60 =	vnsel vm0, $0x0, v10;
	v62 =	vbroadcast v8, $0x0;
	v1 =	vmul.f32 v1, v6;
	[tilespmem:s22+$0x1CCC0] =	vst v3  }
0xb7: {  	v63 =	vbroadcast v11, $0x0;
	v0 =	vmul.f32 v0, v7;
	v3 =	vsel vm1, v60, v59;
	[tilespmem:s22+$0x1CCB0] =	vst v2  }
0xb8: {  	v7 =	vbroadcast v7, $0x0;
	[tilespmem:s22+$0x1CCA0] =	vst v1;
	v2 =	vsel vm2, v3, v62;
	v3 =	vmul.f32 v56, v11  }
0xb9: {  	v1 =	vmul.f32 v57, v8;
	[tilespmem:s22+$0x1CC90] =	vst v0;
	v0 =	vbroadcast v6, $0x0;
	v2 =	vsel vm3, v2, v63  }
0xba: {  	v6 =	vmul.f32 v58, v10;
	[tilespmem:s22+$0x1CC80] =	vst v3;
	v2 =	vsel vm4, v2, v7;
	v3 =	vbroadcast v5, $0x0  }
0xbb: {  	[tilespmem:s22+$0x1CC70] =	vst v1;
	v1 =	vbroadcast v4, $0x0;
	v5 =	vmul.f32 v61, v9;
	v0 =	vsel vm5, v2, v0  }
0xbc: {  	[tilespmem:s22+$0x1CC50] =	vst v6;
	v0 =	vsel vm6, v0, v3  }
0xbd: {  	s16 =	simm.s32 $0x1E2D0;
	[tilespmem:s22+$0x1CC60] =	vst v5;
	v0 =	vsel vm7, v0, v1  }
0xbe: {  	s17 =	simm.s32 $0x80;
	[tilespmem:s16+$0x0] =	vst v0  }
0xbf: {  	v3 =	vld [tilespmem:s17+$0x17C40]  }
0xc0: {  	v5 =	vld [tilespmem:s17+$0x17C50]  }
0xc1: {  	v7 =	vld [tilespmem:s17+$0x17C60]  }
0xc2: {  	v8 =	vld [tilespmem:s17+$0x17C70]  }
0xc3: {  	v0 =	vld [tilespmem:s17+$0x1A470]  }
0xc4: {  	v1 =	vld [tilespmem:s17+$0x1A460]  }
0xc5: {  	v2 =	vld [tilespmem:s17+$0x1A450]  }
0xc6: {  	v6 =	vld [tilespmem:s17+$0x1A440]  }
0xc7: {  	s18 =	simm.s32 $0x400;
	v4 =	vld [tilespmem:s17+$0x1A420]  }
.LBB2_5:
0xc8: {  	p1 =	sne.s32 s18, $0x4E00;
	v9 =	vld [tilespmem:s17+$0x1A410]  }
0xc9: {  	v10 =	vld [tilespmem:s17+$0x1A400]  }
0xca: {  	v11 =	vld [tilespmem:s17+$0x1A430]  }
0xcb: {  	v12 =	vld [tilespmem:s17+$0x17C30]  }
0xcc: {  	v8 =	vmul.f32 v8, v0;
	v13 =	vld [tilespmem:s17+$0x17C20]  }
0xcd: {  	v7 =	vmul.f32 v7, v1;
	v14 =	vld [tilespmem:s17+$0x17C00];
	v15 =	vbroadcast v9, $0x0  }
0xce: {  	v5 =	vmul.f32 v5, v2;
	v18 =	vbroadcast v4, $0x0;
	v16 =	vnsel vm0, $0x0, v10;
	v17 =	vld [tilespmem:s17+$0x17C10];
	[tilespmem:s17+$0x1CCC0] =	vst v8  }
0xcf: {  	v3 =	vmul.f32 v3, v6;
	v8 =	vsel vm1, v16, v15;
	v15 =	vbroadcast v11, $0x0;
	[tilespmem:s17+$0x1CCB0] =	vst v7  }
0xd0: {  	v6 =	vbroadcast v6, $0x0;
	v7 =	vsel vm2, v8, v18;
	v8 =	vmul.f32 v12, v11;
	[tilespmem:s17+$0x1CCA0] =	vst v5  }
0xd1: {  	v2 =	vbroadcast v2, $0x0;
	v4 =	vmul.f32 v13, v4;
	v5 =	vsel vm3, v7, v15;
	[tilespmem:s17+$0x1CC90] =	vst v3  }
0xd2: {  	v1 =	vbroadcast v1, $0x0;
	v3 =	vmul.f32 v14, v10;
	[tilespmem:s17+$0x1CC80] =	vst v8;
	v5 =	vsel vm4, v5, v6  }
0xd3: {  	v0 =	vbroadcast v0, $0x0;
	v6 =	vmul.f32 v17, v9;
	[tilespmem:s17+$0x1CC70] =	vst v4;
	v2 =	vsel vm5, v5, v2  }
0xd4: {  	[tilespmem:s17+$0x1CC50] =	vst v3;
	v1 =	vsel vm6, v2, v1  }
0xd5: {  	s16 =	sadd.s32 $0x10, s16;
	[tilespmem:s17+$0x1CC60] =	vst v6;
	v0 =	vsel vm7, v1, v0  }
0xd6: {  	s17 =	sshra.s32 s18, $0x2;
	[tilespmem:s16+$0x0] =	vst v0  }
0xd7: {  	v3 =	vld [tilespmem:s17+$0x17C40]  }
0xd8: {  	v5 =	vld [tilespmem:s17+$0x17C50]  }
0xd9: {  	v7 =	vld [tilespmem:s17+$0x17C60]  }
0xda: {  	v8 =	vld [tilespmem:s17+$0x17C70]  }
.Ltmp3:
0xdb: {  	v0 =	vld [tilespmem:s17+$0x1A470];
	(pc) =	sbr.rel @p1 .LBB2_5-.Ltmp3, $4  }
0xdc: {  	v1 =	vld [tilespmem:s17+$0x1A460]  }
0xdd: {  	v2 =	vld [tilespmem:s17+$0x1A450]  }
0xde: {  	v6 =	vld [tilespmem:s17+$0x1A440]  }
0xdf: {  	s18 =	sadd.s32 $0x200, s18;
	v4 =	vld [tilespmem:s17+$0x1A420]  }
0xe0: {  	v9 =	vld [tilespmem:s17+$0x1A410]  }
0xe1: {  	v10 =	vld [tilespmem:s17+$0x1A400]  }
0xe2: {  	v11 =	vld [tilespmem:s17+$0x1A430]  }
0xe3: {  	v12 =	vld [tilespmem:s17+$0x17C30]  }
0xe4: {  	v13 =	vld [tilespmem:s17+$0x17C20];
	v8 =	vmul.f32 v8, v0  }
0xe5: {  	v14 =	vld [tilespmem:s17+$0x17C00];
	v7 =	vmul.f32 v7, v1;
	v15 =	vbroadcast v9, $0x0  }
0xe6: {  	v16 =	vld [tilespmem:s17+$0x17C10];
	v5 =	vmul.f32 v5, v2;
	[tilespmem:s17+$0x1CCC0] =	vst v8;
	v18 =	vbroadcast v4, $0x0;
	v17 =	vnsel vm0, $0x0, v10  }
0xe7: {  	v3 =	vmul.f32 v3, v6;
	[tilespmem:s17+$0x1CCB0] =	vst v7;
	v53 =	vbroadcast v11, $0x0;
	v52 =	vsel vm1, v17, v15  }
0xe8: {  	v56 =	vbroadcast v6, $0x0;
	[tilespmem:s17+$0x1CCA0] =	vst v5;
	v55 =	vmul.f32 v12, v11;
	v54 =	vsel vm2, v52, v18  }
0xe9: {  	v59 =	vbroadcast v2, $0x0;
	v57 =	vmul.f32 v13, v4;
	[tilespmem:s17+$0x1CC90] =	vst v3;
	v58 =	vsel vm3, v54, v53  }
0xea: {  	v61 =	vbroadcast v1, $0x0;
	v60 =	vmul.f32 v14, v10;
	[tilespmem:s17+$0x1CC80] =	vst v55;
	v5 =	vsel vm4, v58, v56  }
0xeb: {  	v63 =	vbroadcast v0, $0x0;
	v62 =	vmul.f32 v16, v9;
	[tilespmem:s17+$0x1CC70] =	vst v57;
	v2 =	vsel vm5, v5, v59  }
0xec: {  	[tilespmem:s17+$0x1CC50] =	vst v60;
	v1 =	vsel vm6, v2, v61  }
0xed: {  	s16 =	sadd.s32 $0x10, s16;
	[tilespmem:s17+$0x1CC60] =	vst v62;
	v0 =	vsel vm7, v1, v63  }
0xee: {  	[tilespmem:s16+$0x0] =	vst v0  }
0xef: {  	[spmem:s4] =	stream.indirect.scatter.add.f32 [tilespmem:s9], [sflag:$0x3], $0x80, s31, s2, $0xb8;
	[tilespmem:$0x1E550] =	vst v63  }
0xf0: {  	_ =	swait.ge [sflag:s24], $0x1400  }
0xf1: {  	[sflag:s24] =	ssyncset.done $0x0  }
.Ltmp4:
0xf2: {  	[sflag:s24] =	ssyncadd.s32 $0xFFFFEC00;
	(pc) =	sbr.rel @p0 .LBB2_8-.Ltmp4, $4  }
0xf3: {  	[spmem:s5] =	stream.indirect.scatter.add.f32 [tilespmem:s11], [sflag:$0x3], $0x10, s31, s2, $0xb8;
	[tilespmem:$0x1E550] =	vst v63  }
0xf4: {  	_ =	swait.ge [sflag:s24], $0x280  }
0xf5: {  	[sflag:s24] =	ssyncset.done $0x0  }
0xf6: {  	[sflag:s24] =	ssyncadd.s32 $0xFFFFFD80  }
0xf7: {  	s16 =	smul.u32 $0x50, s15;
	_ =	sdelay $0x1  }
0xf8: {  	s16 =	sadd.s32 s16, s20  }
0xf9: {  	s17 =	sshll.u32 s16, $0x4  }
0xfa: {  	s18 =	sadd.s32 s1, s17  }
0xfb: {  	[tilespmem:s29], [sflag:$0x2] =	stream.linear.gather [hbm4b:s18+s6], $0x1400, $0x38;
	[tilespmem:$0x1E550] =	vst v63  }
.Ltmp5:
0xfc: {  	s16 =	sshrl.u32 s16, $0x3;
	(pc) =	sbr.rel .LBB2_2-.Ltmp5, $4  }
0xfd: {  	s17 =	sadd.s32 s7, s17;
	s16 =	sadd.s32 s3, s16  }
0xfe: {  	[tilespmem:s30], [sflag:$0x2] =	stream.linear.gather [hbm4b:s17+s6], $0x1400, $0x38;
	[tilespmem:$0x1E550] =	vst v63  }
0xff: {  	s15 =	sadd.s32 $0x1, s15;
	s16 =	sadd.s32 $0x9C40, s16  }
0x100: {  	[tilespmem:s31], [sflag:$0x2] =	stream.linear.gather [hbm4b:s16+s6], $0x28, $0x38;
	[tilespmem:$0x1E550] =	vst v63  }
.LBB2_9:
0x101: {  	_ =	sfence.sel $0x180000  }
0x102: {  	[bflag:$0x0] =	sbarrier.arrive $0xFFFF  }
0x103: {  	_ =	strace $0x90000047  }
0x104: {  	s0 =	stileid.u32;
	[bflag:$0x2] =	sbarrier.arrive $0xFFFF  }
0x105: {  	p0 =	sne.s32 s0, $0x0;
	s0 =	rddreg [dreg:$0x5]  }
0x106: {  	s0 =	sadd.s32 @!p0 $0x100000, s0  }
0x107: {  	[sflag:s0] =	ssyncadd.tile.s32 @!p0 $0x1;
	_ =	shalt  }
.Lfunc_end2:
_tile_overlayer_lowered:
.L_overlay_start_2:
0x108: {  	(tag) =	ssettag $0x2  }
0x109: {  	s0 =	rddreg [dreg:$0x0];
	s2 =	stileid.u32  }
0x10a: {  	s1 =	rddreg [dreg:$0x1];
	p0 =	sne.s32 s2, $0x0  }
0x10b: {  	s3 =	rddreg [dreg:$0x2];
	[bflag:$0x3] =	sbarrier.arrive $0xFFFF;
	s2 =	simm.s32 @!p0 $0x1C03  }
0x10c: {  	[timem:s3], [sflag:s2] =	dma.local @!p0 [hbm:s0], s1  }
0x10d: {  	s0 =	simm.s32 @!p0 $0x3  }
0x10e: {  	_ =	swait.ge @!p0 [sflag:s0], s1  }
0x10f: {  	s1 =	ssub.s32 @!p0 $0x0, s1;
	[sflag:s0] =	ssyncset.done @!p0 $0x0  }
0x110: {  	[sflag:s0] =	ssyncadd.s32 @!p0 s1  }
0x111: {  	[bflag:$0x3] =	sbarrier.arrive $0xFFFF  }
0x112: {  	_ =	shalt  }

</sc_bundles>
